<compile_context>
chip_gen: v7x
topology: tpu7x:2x2x1
jax: 0.10.2.dev20260603
libtpu: 0.0.44.dev20260713+nightly
codegen_flags: <defaults>
</compile_context>

<pallas_src>
import functools
import math

import jax
import jax.numpy as jnp
from jax import lax
from jax.experimental import pallas as pl
from jax.experimental.pallas import tpu as pltpu
from jax.experimental.pallas import tpu_sc as plsc

H = 768
NH = 12
CD = 256
VOCAB = 32000
NE = 8
ED = 3072
DH = 64
DR = 32
UP = (DH - DR) * NH
SEQ = 2048

_SQRT2 = math.sqrt(2.0)


def _ln_m(x, scale, bias):
    mu = jnp.mean(x, axis=-1, keepdims=True)
    d = x - mu
    var = jnp.mean(d * d, axis=-1, keepdims=True)
    return d * lax.rsqrt(var + 1e-5) * scale + bias


def _gelu(x):
    return 0.5 * x * (1.0 + lax.erf(x / _SQRT2))



def _sc_gather(emb, idx):
    info = plsc.get_sparse_core_info()
    nw = info.num_cores * info.num_subcores
    n = idx.shape[0]
    bpw = n // nw
    mesh = plsc.VectorSubcoreMesh(core_axis_name="c", subcore_axis_name="s")

    @functools.partial(
        pl.kernel,
        mesh=mesh,
        out_type=jax.ShapeDtypeStruct((n, emb.shape[1]), jnp.float32),
        scratch_types=[
            pltpu.VMEM((bpw,), jnp.int32),
            pltpu.VMEM((bpw, emb.shape[1]), jnp.float32),
            pltpu.SemaphoreType.DMA,
        ],
    )
    def k(table_hbm, idx_hbm, out_hbm, idx_v, rows_v, sem):
        wid = lax.axis_index("s") * info.num_cores + lax.axis_index("c")
        base = wid * bpw
        pltpu.sync_copy(idx_hbm.at[pl.ds(base, bpw)], idx_v)
        pltpu.async_copy(table_hbm.at[idx_v], rows_v, sem).wait()
        pltpu.sync_copy(rows_v, out_hbm.at[pl.ds(base, bpw)])

    return k(emb, idx)



def _rope_full(x, cos_f, sin_f, lane_mod):
    x_m = jnp.roll(x, -8, axis=1)
    x_p = jnp.roll(x, 8, axis=1)
    rot_lo = x * cos_f - x_m * sin_f
    rot_hi = x * cos_f + x_p * sin_f
    return jnp.where(lane_mod < 8, rot_lo, jnp.where(lane_mod < 16, rot_hi, x))


def _attn_body(h_ref, n1s, n1b, wdkv, wdq, wuk, wuv, wuq, wkr, wqr, wo, a_ref):
    f32 = jnp.float32
    dot = lambda a, b: jnp.dot(a, b, preferred_element_type=f32)
    h = h_ref[...]
    hn = _ln_m(h, n1s[...], n1b[...])
    c_kv = dot(hn, wdkv[...])
    c_q = dot(hn, wdq[...])
    qc = dot(c_q, wuq[...])
    kc = dot(c_kv, wuk[...])
    v = dot(c_kv, wuv[...])
    kr = dot(hn, wkr[...])
    qr = dot(c_q, wqr[...])

    s = h.shape[0]
    lane = lax.broadcasted_iota(jnp.int32, (s, UP), 1)
    lane_mod = lane & 31
    freq = jnp.exp((lane_mod & 7).astype(f32) * (-math.log(10000.0) / 8.0))
    t = lax.broadcasted_iota(jnp.int32, (s, UP), 0).astype(f32) / 40.0
    ang = t * freq
    cos_f = jnp.cos(ang)
    sin_f = jnp.sin(ang)
    kr = _rope_full(kr, cos_f, sin_f, lane_mod)
    qr = _rope_full(qr, cos_f, sin_f, lane_mod)

    i_up = lax.broadcasted_iota(jnp.int32, (UP, H), 0)
    j_h = lax.broadcasted_iota(jnp.int32, (UP, H), 1)
    mask = ((i_up >> 5) == (j_h >> 6)).astype(f32)

    dot_t = lambda a, b: lax.dot_general(a, b, (((0,), (0,)), ((), ())),
                                         preferred_element_type=f32)
    mc = dot_t(qc, v) * mask
    mr = dot_t(qr, v) * mask
    out = (dot(kc, mc) + dot(kr, mr)) * 0.125
    a_ref[...] = dot(out, wo[...]) + h


def _attn_call(h, n1s, n1b, wdkv, wdq, wuk, wuv, wuq, wkr, wqr, wo):
    return pl.pallas_call(
        _attn_body,
        out_shape=jax.ShapeDtypeStruct((SEQ, H), jnp.float32),
    )(h, n1s, n1b, wdkv, wdq, wuk, wuv, wuq, wkr, wqr, wo)



def _moe_body(a_ref, h_ref, n2s, n2b, shup, shdown, rup, rdown, router, m_ref):
    f32 = jnp.float32
    bf16 = jnp.bfloat16
    dot = lambda a, b: jnp.dot(a, b, preferred_element_type=f32)
    e = pl.program_id(1)
    c = pl.program_id(2)
    a = a_ref[...]
    xn = _ln_m(a, n2s[...], n2b[...])
    logits = dot(xn, router[...])
    mx = jnp.max(logits, axis=-1, keepdims=True)
    ex = jnp.exp(logits - mx)
    p = ex / jnp.sum(ex, axis=-1, keepdims=True)
    m1 = jnp.max(p, axis=-1, keepdims=True)
    lane = lax.broadcasted_iota(jnp.int32, p.shape, 1)
    first_i = jnp.min(jnp.where(p == m1, lane, NE), axis=-1, keepdims=True)
    p_wo = jnp.where(lane == first_i, -1.0, p)
    m2 = jnp.max(p_wo, axis=-1, keepdims=True)
    w = jnp.where(p >= m2, p, 0.0)
    w_e = jnp.sum(w * (lane == e).astype(f32), axis=-1, keepdims=True)

    xnb = xn.astype(bf16)

    @pl.when((e == 0) & (c == 0))
    def _():
        m_ref[...] = xn + h_ref[...]

    @pl.when(e == 0)
    def _():
        m_ref[...] += dot(_gelu(dot(xnb, shup[...])).astype(bf16), shdown[...])

    contrib = dot(_gelu(dot(xnb, rup[0])).astype(bf16), rdown[0]) * w_e
    m_ref[...] += contrib


def _moe_call(a, h, n2s, n2b, shup, shdown, rup, rdown, router):
    bs = 512
    cd = ED // 2
    grid = (SEQ // bs, NE, ED // cd)
    return pl.pallas_call(
        _moe_body,
        grid=grid,
        in_specs=[
            pl.BlockSpec((bs, H), lambda s, e, c: (s, 0)),
            pl.BlockSpec((bs, H), lambda s, e, c: (s, 0)),
            pl.BlockSpec((1, H), lambda s, e, c: (0, 0)),
            pl.BlockSpec((1, H), lambda s, e, c: (0, 0)),
            pl.BlockSpec((H, cd), lambda s, e, c: (0, c)),
            pl.BlockSpec((cd, H), lambda s, e, c: (c, 0)),
            pl.BlockSpec((1, H, cd), lambda s, e, c: (e, 0, c)),
            pl.BlockSpec((1, cd, H), lambda s, e, c: (e, c, 0)),
            pl.BlockSpec((H, NE), lambda s, e, c: (0, 0)),
        ],
        out_specs=pl.BlockSpec((bs, H), lambda s, e, c: (s, 0)),
        out_shape=jax.ShapeDtypeStruct((SEQ, H), jnp.float32),
        compiler_params=pltpu.CompilerParams(
            dimension_semantics=("arbitrary", "arbitrary", "arbitrary")),
    )(a, h, n2s, n2b, shup, shdown, rup, rdown, router)



def _head_body(m_ref, nfs, nfb, proj_ref, o_ref):
    mn = _ln_m(m_ref[...], nfs[...], nfb[...]).astype(jnp.bfloat16)
    o_ref[...] = jnp.dot(mn, proj_ref[...], preferred_element_type=jnp.float32)


def _head_call(m, nfs, nfb, proj):
    vb = 1280
    grid = (VOCAB // vb,)
    return pl.pallas_call(
        _head_body,
        grid=grid,
        in_specs=[
            pl.BlockSpec((SEQ, H), lambda v: (0, 0)),
            pl.BlockSpec((1, H), lambda v: (0, 0)),
            pl.BlockSpec((1, H), lambda v: (0, 0)),
            pl.BlockSpec((H, vb), lambda v: (0, v)),
        ],
        out_specs=pl.BlockSpec((SEQ, vb), lambda v: (0, v)),
        out_shape=jax.ShapeDtypeStruct((SEQ, VOCAB), jnp.float32),
        compiler_params=pltpu.CompilerParams(
            dimension_semantics=("arbitrary",)),
    )(m, nfs, nfb, proj)




def kernel(x, emb, n1_scale, n1_bias, W_dkv, W_dq, W_uk, W_uv, W_uq, W_kr,
           W_qr, W_o, n2_scale, n2_bias, sh_up, sh_down, r_up, r_down,
           router, nf_scale, nf_bias, proj):
    b, s = x.shape
    idx = x.reshape(s)
    h = _sc_gather(emb, idx)
    n1s = n1_scale.reshape(1, H)
    n1b = n1_bias.reshape(1, H)
    a = _attn_call(h, n1s, n1b, W_dkv, W_dq, W_uk, W_uv, W_uq, W_kr, W_qr, W_o)
    bf16 = jnp.bfloat16
    m = _moe_call(a, h, n2_scale.reshape(1, H), n2_bias.reshape(1, H),
                  sh_up.astype(bf16), sh_down.astype(bf16),
                  r_up.astype(bf16), r_down.astype(bf16), router)
    out = _head_call(m, nf_scale.reshape(1, H), nf_bias.reshape(1, H),
                     proj.astype(bf16))
    return out.reshape(b, s, VOCAB)

# --- scband reference (transcript-rebuilt; emitter-appended) ---
"""Pipeline reference for scband-nano-deep-seek-1331439862378 (READ-ONLY COPY).

The authoritative reference and input builder live on the scoring server;
editing this copy changes nothing except your own understanding.
"""

import jax, jax.numpy as jnp
import numpy as np
import math

H_DIM = 768
N_HEADS = 12
C_DIM = 256
N_TOKENS = 32000
N_ROUTED = 8
TOP_K = 2
E_DIM = 4 * H_DIM
D_HEAD = H_DIM // N_HEADS
D_ROPE = D_HEAD // 2
UP_DIM = (D_HEAD - D_ROPE) * N_HEADS
BATCH = 1
SEQ = 2048


def setup_inputs(seed: int = 0):
    key = jax.random.key(seed)
    ks = jax.random.split(key, 20)
    s = 0.02
    def w(k, shape):
        return jax.random.normal(k, shape, dtype=jnp.float32) * s
    return {
        "x": jax.random.randint(ks[0], (BATCH, SEQ), 0, N_TOKENS, dtype=jnp.int32),
        "emb": w(ks[1], (N_TOKENS, H_DIM)),
        "n1_scale": jnp.ones((H_DIM,), jnp.float32),
        "n1_bias": jnp.zeros((H_DIM,), jnp.float32),
        "W_dkv": w(ks[2], (H_DIM, C_DIM)),
        "W_dq": w(ks[3], (H_DIM, C_DIM)),
        "W_uk": w(ks[4], (C_DIM, UP_DIM)),
        "W_uv": w(ks[5], (C_DIM, N_HEADS * D_HEAD)),
        "W_uq": w(ks[6], (C_DIM, UP_DIM)),
        "W_kr": w(ks[7], (H_DIM, N_HEADS * D_ROPE)),
        "W_qr": w(ks[8], (C_DIM, N_HEADS * D_ROPE)),
        "W_o": w(ks[9], (N_HEADS * D_HEAD, H_DIM)),
        "n2_scale": jnp.ones((H_DIM,), jnp.float32),
        "n2_bias": jnp.zeros((H_DIM,), jnp.float32),
        "sh_up": w(ks[10], (H_DIM, E_DIM)),
        "sh_down": w(ks[11], (E_DIM, H_DIM)),
        "r_up": w(ks[12], (N_ROUTED, H_DIM, E_DIM)),
        "r_down": w(ks[13], (N_ROUTED, E_DIM, H_DIM)),
        "router": w(ks[14], (H_DIM, N_ROUTED)),
        "nf_scale": jnp.ones((H_DIM,), jnp.float32),
        "nf_bias": jnp.zeros((H_DIM,), jnp.float32),
        "proj": w(ks[15], (H_DIM, N_TOKENS)),
    }


def _ln(x, scale, bias):
    m = jnp.mean(x, axis=-1, keepdims=True)
    v = jnp.var(x, axis=-1, keepdims=True)
    return (x - m) / jnp.sqrt(v + 1e-5) * scale + bias


def _rotate_half(x):
    x1, x2 = jnp.split(x, 2, axis=-1)
    return jnp.concatenate([-x2, x1], axis=-1)


def _apply_rotary(x, cos, sin):
    d = cos.shape[-1]
    x_rot, x_base = x[..., :d], x[..., d:]
    x_rot = x_rot * cos + _rotate_half(x_rot) * sin
    return jnp.concatenate([x_rot, x_base], axis=-1)


def _mla(h, W_dkv, W_dq, W_uk, W_uv, W_uq, W_kr, W_qr, W_o):
    B, S, _ = h.shape
    c_kv = h @ W_dkv
    c_q = h @ W_dq
    q_c = (c_q @ W_uq).reshape(B, S, N_HEADS, D_HEAD - D_ROPE)
    k_c = (c_kv @ W_uk).reshape(B, S, N_HEADS, D_HEAD - D_ROPE)
    v = (c_kv @ W_uv).reshape(B, S, N_HEADS, D_HEAD)
    k_r = (h @ W_kr).reshape(B, S, N_HEADS, D_ROPE)
    q_r = (c_q @ W_qr).reshape(B, S, N_HEADS, D_ROPE)
    half = D_ROPE // 2
    inv_freq = 1.0 / (10000.0 ** (jnp.arange(0, half, 2, dtype=jnp.float32) / half))
    t = jnp.arange(S, dtype=jnp.float32) / 40.0
    freqs = t[:, None] * inv_freq[None, :]
    rotation = jnp.concatenate([freqs, freqs], axis=-1)
    cos = jnp.cos(rotation).reshape(1, S, 1, -1)
    sin = jnp.sin(rotation).reshape(1, S, 1, -1)
    k_rope = _apply_rotary(k_r, cos, sin)
    q_rope = _apply_rotary(q_r, cos, sin)
    k = jnp.concatenate([k_c, k_rope], axis=-1)
    q = jnp.concatenate([q_c, q_rope], axis=-1)
    attn_scores = jnp.einsum('bqhd,bkhd->bhqk', k, q) / math.sqrt(D_HEAD)
    attn_weights = jax.nn.softmax(attn_scores, axis=-1)  # computed but unused in original code (faithful bug)
    out = jnp.einsum('bhqk,bkhd->bqhd', attn_scores, v)
    return out.reshape(B, S, N_HEADS * D_HEAD) @ W_o


def _moe(x, sh_up, sh_down, r_up, r_down, router):
    shared = jax.nn.gelu(x @ sh_up, approximate=False) @ sh_down
    probs = jax.nn.softmax(x @ router, axis=-1)
    top_p, top_i = jax.lax.top_k(probs, TOP_K)
    routed = jnp.zeros_like(x)
    for e in range(N_ROUTED):
        w_e = jnp.sum(top_p * (top_i == e).astype(x.dtype), axis=-1)
        eo = jax.nn.gelu(x @ r_up[e], approximate=False) @ r_down[e]
        routed = routed + eo * w_e[..., None]
    return shared + routed + x


def reference(x, emb, n1_scale, n1_bias, W_dkv, W_dq, W_uk, W_uv, W_uq, W_kr, W_qr, W_o, n2_scale, n2_bias, sh_up, sh_down, r_up, r_down, router, nf_scale, nf_bias, proj):
    h = emb[x]
    a = _mla(_ln(h, n1_scale, n1_bias), W_dkv, W_dq, W_uk, W_uv, W_uq, W_kr, W_qr, W_o) + h
    m = _moe(_ln(a, n2_scale, n2_bias), sh_up, sh_down, r_up, r_down, router) + h
    return _ln(m, nf_scale, nf_bias) @ proj

if __name__ == "__main__":
    import jax
    _d = setup_inputs()
    print(jax.jit(kernel)(*tuple(_d.values())))

</pallas_src>

<mosaic_0001>
#map = affine_map<(d0, d1) -> (0, 0)>
#map1 = affine_map<(d0, d1) -> (0)>
module attributes {stable_mosaic.version = 14 : i64} {
  func.func @k(%arg0: i32, %arg1: i32, %arg2: memref<32000x768xf32, #tpu.memory_space<hbm>>, %arg3: memref<2048xi32, #tpu.memory_space<hbm>>, %arg4: memref<2048x768xf32, #tpu.memory_space<hbm>>, %arg5: memref<64xi32, #tpu.memory_space<vmem>>, %arg6: memref<64x768xf32, #tpu.memory_space<vmem>>, %arg7: memref<!tpu.dma_semaphore, #tpu.memory_space<semaphore_mem>>) attributes {dimension_semantics = [#tpu.dimension_semantics<core_parallel>, #tpu.dimension_semantics<subcore_parallel>], iteration_bounds = array<i64: 2, 16>, scalar_prefetch = 0 : i64, scratch_operands = 3 : i64, tpu.core_type = #tpu.core_type<sc_vector_subcore>, window_params = [{transform_indices = #map}, {transform_indices = #map1}, {transform_indices = #map}]} {
    %mul3A = arith.constant 2 : i32
    %mul3A_0 = arith.muli %arg1, %mul3A : i32
    %add3A = arith.addi %mul3A_0, %arg0 : i32
    %mul3A_1 = arith.constant 64 : i32
    %mul3A_2 = arith.muli %add3A, %mul3A_1 : i32
    "tpu.region"() ({
      %run_scoped3A = tpu.sem_alloc : memref<!tpu.dma_semaphore, #tpu.memory_space<semaphore_mem>>
      %dma_start3A_7 = tpu.memref_slice %arg3[%mul3A_2] : memref<2048xi32, #tpu.memory_space<hbm>> -> memref<64xi32, #tpu.memory_space<hbm>>
      %dma_start3A_8 = tpu.memref_slice %arg3[%mul3A_2] : memref<2048xi32, #tpu.memory_space<hbm>> -> memref<64xi32, #tpu.memory_space<hbm>>
      tpu.enqueue_dma source(%dma_start3A_8 : memref<64xi32, #tpu.memory_space<hbm>>) target(%arg5 : memref<64xi32, #tpu.memory_space<vmem>>) target_semaphore(%run_scoped3A : memref<!tpu.dma_semaphore, #tpu.memory_space<semaphore_mem>>)
      %dma_wait3A_9 = tpu.memref_slice %arg3[%mul3A_2] : memref<2048xi32, #tpu.memory_space<hbm>> -> memref<64xi32, #tpu.memory_space<hbm>>
      %dma_wait3A_10 = tpu.memref_slice %arg3[%mul3A_2] : memref<2048xi32, #tpu.memory_space<hbm>> -> memref<64xi32, #tpu.memory_space<hbm>>
      tpu.wait_dma2 semaphore(%run_scoped3A : memref<!tpu.dma_semaphore, #tpu.memory_space<semaphore_mem>>) src(%dma_wait3A_10 : memref<64xi32, #tpu.memory_space<hbm>>) dst(%arg5 : memref<64xi32, #tpu.memory_space<vmem>>)
      tpu.yield
    }) : () -> ()
    %dma_start3A = arith.constant 0 : i32
    %dma_start3A_3 = arith.constant 0 : i32
    %dma_start3A_4 = tpu.memref_slice %arg2[%dma_start3A, %dma_start3A_3] : memref<32000x768xf32, #tpu.memory_space<hbm>> -> memref<32000x768xf32, #tpu.memory_space<hbm>>
    tpu.enqueue_indirect_dma source(%dma_start3A_4 : memref<32000x768xf32, #tpu.memory_space<hbm>>) target(%arg6 : memref<64x768xf32, #tpu.memory_space<vmem>>) offsets(%arg5 : memref<64xi32, #tpu.memory_space<vmem>>) semaphore(%arg7 : memref<!tpu.dma_semaphore, #tpu.memory_space<semaphore_mem>>)
    %dma_wait3A = arith.constant 0 : i32
    %dma_wait3A_5 = arith.constant 0 : i32
    %dma_wait3A_6 = tpu.memref_slice %arg2[%dma_wait3A, %dma_wait3A_5] : memref<32000x768xf32, #tpu.memory_space<hbm>> -> memref<32000x768xf32, #tpu.memory_space<hbm>>
    tpu.wait_indirect_dma semaphore(%arg7 : memref<!tpu.dma_semaphore, #tpu.memory_space<semaphore_mem>>) src(%dma_wait3A_6 : memref<32000x768xf32, #tpu.memory_space<hbm>>) dst(%arg6 : memref<64x768xf32, #tpu.memory_space<vmem>>)
    "tpu.region"() ({
      %run_scoped3A = tpu.sem_alloc : memref<!tpu.dma_semaphore, #tpu.memory_space<semaphore_mem>>
      %dma_start3A_7 = arith.constant 0 : i32
      %dma_start3A_8 = tpu.memref_slice %arg4[%mul3A_2, %dma_start3A_7] : memref<2048x768xf32, #tpu.memory_space<hbm>> -> memref<64x768xf32, #tpu.memory_space<hbm>>
      %dma_start3A_9 = arith.constant 0 : i32
      %dma_start3A_10 = tpu.memref_slice %arg4[%mul3A_2, %dma_start3A_9] : memref<2048x768xf32, #tpu.memory_space<hbm>> -> memref<64x768xf32, #tpu.memory_space<hbm>>
      tpu.enqueue_dma source(%arg6 : memref<64x768xf32, #tpu.memory_space<vmem>>) target(%dma_start3A_10 : memref<64x768xf32, #tpu.memory_space<hbm>>) target_semaphore(%run_scoped3A : memref<!tpu.dma_semaphore, #tpu.memory_space<semaphore_mem>>)
      %dma_wait3A_11 = arith.constant 0 : i32
      %dma_wait3A_12 = tpu.memref_slice %arg4[%mul3A_2, %dma_wait3A_11] : memref<2048x768xf32, #tpu.memory_space<hbm>> -> memref<64x768xf32, #tpu.memory_space<hbm>>
      %dma_wait3A_13 = arith.constant 0 : i32
      %dma_wait3A_14 = tpu.memref_slice %arg4[%mul3A_2, %dma_wait3A_13] : memref<2048x768xf32, #tpu.memory_space<hbm>> -> memref<64x768xf32, #tpu.memory_space<hbm>>
      tpu.wait_dma2 semaphore(%run_scoped3A : memref<!tpu.dma_semaphore, #tpu.memory_space<semaphore_mem>>) src(%arg6 : memref<64x768xf32, #tpu.memory_space<vmem>>) dst(%dma_wait3A_14 : memref<64x768xf32, #tpu.memory_space<hbm>>)
      tpu.yield
    }) : () -> ()
    return
  }
}

module attributes {stable_mosaic.version = 14 : i64} {
  func.func @_attn_body(%arg0: memref<2048x768xf32, #tpu.memory_space<vmem>>, %arg1: memref<1x768xf32, #tpu.memory_space<vmem>>, %arg2: memref<1x768xf32, #tpu.memory_space<vmem>>, %arg3: memref<768x256xf32, #tpu.memory_space<vmem>>, %arg4: memref<768x256xf32, #tpu.memory_space<vmem>>, %arg5: memref<256x384xf32, #tpu.memory_space<vmem>>, %arg6: memref<256x768xf32, #tpu.memory_space<vmem>>, %arg7: memref<256x384xf32, #tpu.memory_space<vmem>>, %arg8: memref<768x384xf32, #tpu.memory_space<vmem>>, %arg9: memref<256x384xf32, #tpu.memory_space<vmem>>, %arg10: memref<768x768xf32, #tpu.memory_space<vmem>>, %arg11: memref<2048x768xf32, #tpu.memory_space<vmem>>) attributes {dimension_semantics = [], scalar_prefetch = 0 : i64, scratch_operands = 0 : i64, tpu.core_type = #tpu.core_type<tc>} {
    %get3A = arith.constant 0 : index
    %get3A_0 = arith.constant 0 : index
    %get3A_1 = vector.load %arg0[%get3A, %get3A_0] : memref<2048x768xf32, #tpu.memory_space<vmem>>, vector<2048x768xf32>
    %get3A_2 = arith.constant 0 : index
    %get3A_3 = arith.constant 0 : index
    %get3A_4 = vector.load %arg1[%get3A_2, %get3A_3] : memref<1x768xf32, #tpu.memory_space<vmem>>, vector<1x768xf32>
    %get3A_5 = arith.constant 0 : index
    %get3A_6 = arith.constant 0 : index
    %get3A_7 = vector.load %arg2[%get3A_5, %get3A_6] : memref<1x768xf32, #tpu.memory_space<vmem>>, vector<1x768xf32>
    %reduce_sum3A = arith.constant dense<0.000000e+00> : vector<2048xf32>
    %reduce_sum3A_8 = vector.multi_reduction <add>, %get3A_1, %reduce_sum3A [1] : vector<2048x768xf32> to vector<2048xf32>
    %broadcast_in_dim3A = vector.shape_cast %reduce_sum3A_8 : vector<2048xf32> to vector<2048x1xf32>
    %div3A = arith.constant 7.680000e+02 : f32
    %div3A_9 = vector.broadcast %div3A : f32 to vector<2048x1xf32>
    %div3A_10 = arith.divf %broadcast_in_dim3A, %div3A_9 : vector<2048x1xf32>
    %sub3A = vector.broadcast %div3A_10 : vector<2048x1xf32> to vector<2048x768xf32>
    %sub3A_11 = arith.subf %get3A_1, %sub3A : vector<2048x768xf32>
    %mul3A = arith.mulf %sub3A_11, %sub3A_11 : vector<2048x768xf32>
    %reduce_sum3A_12 = arith.constant dense<0.000000e+00> : vector<2048xf32>
    %reduce_sum3A_13 = vector.multi_reduction <add>, %mul3A, %reduce_sum3A_12 [1] : vector<2048x768xf32> to vector<2048xf32>
    %broadcast_in_dim3A_14 = vector.shape_cast %reduce_sum3A_13 : vector<2048xf32> to vector<2048x1xf32>
    %div3A_15 = arith.constant 7.680000e+02 : f32
    %div3A_16 = vector.broadcast %div3A_15 : f32 to vector<2048x1xf32>
    %div3A_17 = arith.divf %broadcast_in_dim3A_14, %div3A_16 : vector<2048x1xf32>
    %add3A = arith.constant 9.99999974E-6 : f32
    %add3A_18 = vector.broadcast %add3A : f32 to vector<2048x1xf32>
    %add3A_19 = arith.addf %div3A_17, %add3A_18 : vector<2048x1xf32>
    %rsqrt3A = math.rsqrt %add3A_19 : vector<2048x1xf32>
    %mul3A_20 = vector.broadcast %rsqrt3A : vector<2048x1xf32> to vector<2048x768xf32>
    %mul3A_21 = arith.mulf %sub3A_11, %mul3A_20 : vector<2048x768xf32>
    %mul3A_22 = vector.broadcast %get3A_4 : vector<1x768xf32> to vector<2048x768xf32>
    %mul3A_23 = arith.mulf %mul3A_21, %mul3A_22 : vector<2048x768xf32>
    %add3A_24 = vector.broadcast %get3A_7 : vector<1x768xf32> to vector<2048x768xf32>
    %add3A_25 = arith.addf %mul3A_23, %add3A_24 : vector<2048x768xf32>
    %get3A_26 = arith.constant 0 : index
    %get3A_27 = arith.constant 0 : index
    %get3A_28 = vector.load %arg3[%get3A_26, %get3A_27] : memref<768x256xf32, #tpu.memory_space<vmem>>, vector<768x256xf32>
    %dot_general3A = arith.constant dense<0.000000e+00> : vector<2048x256xf32>
    %dot_general3A_29 = tpu.matmul %add3A_25, %get3A_28, %dot_general3A {dimension_numbers = #tpu.dot_dimension_numbers<[1], [0], [0], [1], [0, 0, 1, 1], [], []>, transpose_lhs_hint = false} : vector<2048x768xf32>, vector<768x256xf32>, vector<2048x256xf32> -> vector<2048x256xf32>
    %get3A_30 = arith.constant 0 : index
    %get3A_31 = arith.constant 0 : index
    %get3A_32 = vector.load %arg4[%get3A_30, %get3A_31] : memref<768x256xf32, #tpu.memory_space<vmem>>, vector<768x256xf32>
    %dot_general3A_33 = arith.constant dense<0.000000e+00> : vector<2048x256xf32>
    %dot_general3A_34 = tpu.matmul %add3A_25, %get3A_32, %dot_general3A_33 {dimension_numbers = #tpu.dot_dimension_numbers<[1], [0], [0], [1], [0, 0, 1, 1], [], []>, transpose_lhs_hint = false} : vector<2048x768xf32>, vector<768x256xf32>, vector<2048x256xf32> -> vector<2048x256xf32>
    %get3A_35 = arith.constant 0 : index
    %get3A_36 = arith.constant 0 : index
    %get3A_37 = vector.load %arg7[%get3A_35, %get3A_36] : memref<256x384xf32, #tpu.memory_space<vmem>>, vector<256x384xf32>
    %dot_general3A_38 = arith.constant dense<0.000000e+00> : vector<2048x384xf32>
    %dot_general3A_39 = tpu.matmul %dot_general3A_34, %get3A_37, %dot_general3A_38 {dimension_numbers = #tpu.dot_dimension_numbers<[1], [0], [0], [1], [0, 0, 1, 1], [], []>, transpose_lhs_hint = false} : vector<2048x256xf32>, vector<256x384xf32>, vector<2048x384xf32> -> vector<2048x384xf32>
    %get3A_40 = arith.constant 0 : index
    %get3A_41 = arith.constant 0 : index
    %get3A_42 = vector.load %arg5[%get3A_40, %get3A_41] : memref<256x384xf32, #tpu.memory_space<vmem>>, vector<256x384xf32>
    %dot_general3A_43 = arith.constant dense<0.000000e+00> : vector<2048x384xf32>
    %dot_general3A_44 = tpu.matmul %dot_general3A_29, %get3A_42, %dot_general3A_43 {dimension_numbers = #tpu.dot_dimension_numbers<[1], [0], [0], [1], [0, 0, 1, 1], [], []>, transpose_lhs_hint = false} : vector<2048x256xf32>, vector<256x384xf32>, vector<2048x384xf32> -> vector<2048x384xf32>
    %get3A_45 = arith.constant 0 : index
    %get3A_46 = arith.constant 0 : index
    %get3A_47 = vector.load %arg6[%get3A_45, %get3A_46] : memref<256x768xf32, #tpu.memory_space<vmem>>, vector<256x768xf32>
    %dot_general3A_48 = arith.constant dense<0.000000e+00> : vector<2048x768xf32>
    %dot_general3A_49 = tpu.matmul %dot_general3A_29, %get3A_47, %dot_general3A_48 {dimension_numbers = #tpu.dot_dimension_numbers<[1], [0], [0], [1], [0, 0, 1, 1], [], []>, transpose_lhs_hint = false} : vector<2048x256xf32>, vector<256x768xf32>, vector<2048x768xf32> -> vector<2048x768xf32>
    %get3A_50 = arith.constant 0 : index
    %get3A_51 = arith.constant 0 : index
    %get3A_52 = vector.load %arg8[%get3A_50, %get3A_51] : memref<768x384xf32, #tpu.memory_space<vmem>>, vector<768x384xf32>
    %dot_general3A_53 = arith.constant dense<0.000000e+00> : vector<2048x384xf32>
    %dot_general3A_54 = tpu.matmul %add3A_25, %get3A_52, %dot_general3A_53 {dimension_numbers = #tpu.dot_dimension_numbers<[1], [0], [0], [1], [0, 0, 1, 1], [], []>, transpose_lhs_hint = false} : vector<2048x768xf32>, vector<768x384xf32>, vector<2048x384xf32> -> vector<2048x384xf32>
    %get3A_55 = arith.constant 0 : index
    %get3A_56 = arith.constant 0 : index
    %get3A_57 = vector.load %arg9[%get3A_55, %get3A_56] : memref<256x384xf32, #tpu.memory_space<vmem>>, vector<256x384xf32>
    %dot_general3A_58 = arith.constant dense<0.000000e+00> : vector<2048x384xf32>
    %dot_general3A_59 = tpu.matmul %dot_general3A_34, %get3A_57, %dot_general3A_58 {dimension_numbers = #tpu.dot_dimension_numbers<[1], [0], [0], [1], [0, 0, 1, 1], [], []>, transpose_lhs_hint = false} : vector<2048x256xf32>, vector<256x384xf32>, vector<2048x384xf32> -> vector<2048x384xf32>
    %iota3A = tpu.iota {dimensions = array<i32: 1>} : vector<2048x384xi32>
    %and3A = arith.constant 31 : i32
    %and3A_60 = vector.broadcast %and3A : i32 to vector<2048x384xi32>
    %and3A_61 = arith.andi %iota3A, %and3A_60 : vector<2048x384xi32>
    %and3A_62 = arith.constant 7 : i32
    %and3A_63 = vector.broadcast %and3A_62 : i32 to vector<2048x384xi32>
    %and3A_64 = arith.andi %and3A_61, %and3A_63 : vector<2048x384xi32>
    %convert_element_type3A = arith.sitofp %and3A_64 : vector<2048x384xi32> to vector<2048x384xf32>
    %mul3A_65 = arith.constant -1.15129256 : f32
    %mul3A_66 = vector.broadcast %mul3A_65 : f32 to vector<2048x384xf32>
    %mul3A_67 = arith.mulf %convert_element_type3A, %mul3A_66 : vector<2048x384xf32>
    %exp3A = math.exp %mul3A_67 : vector<2048x384xf32>
    %iota3A_68 = tpu.iota {dimensions = array<i32: 0>} : vector<2048x384xi32>
    %convert_element_type3A_69 = arith.sitofp %iota3A_68 : vector<2048x384xi32> to vector<2048x384xf32>
    %div3A_70 = arith.constant 4.000000e+01 : f32
    %div3A_71 = vector.broadcast %div3A_70 : f32 to vector<2048x384xf32>
    %div3A_72 = arith.divf %convert_element_type3A_69, %div3A_71 : vector<2048x384xf32>
    %mul3A_73 = arith.mulf %div3A_72, %exp3A : vector<2048x384xf32>
    %cos3A = math.cos %mul3A_73 : vector<2048x384xf32>
    %sin3A = math.sin %mul3A_73 : vector<2048x384xf32>
    %slice3A = vector.extract_strided_slice %dot_general3A_54 {offsets = [0, 8], sizes = [2048, 376], strides = [1, 1]} : vector<2048x384xf32> to vector<2048x376xf32>
    %slice3A_74 = vector.extract_strided_slice %dot_general3A_54 {offsets = [0, 0], sizes = [2048, 8], strides = [1, 1]} : vector<2048x384xf32> to vector<2048x8xf32>
    %concatenate3A = tpu.concatenate %slice3A, %slice3A_74 in 1 : vector<2048x376xf32>, vector<2048x8xf32> -> vector<2048x384xf32>
    %slice3A_75 = vector.extract_strided_slice %dot_general3A_54 {offsets = [0, 376], sizes = [2048, 8], strides = [1, 1]} : vector<2048x384xf32> to vector<2048x8xf32>
    %slice3A_76 = vector.extract_strided_slice %dot_general3A_54 {offsets = [0, 0], sizes = [2048, 376], strides = [1, 1]} : vector<2048x384xf32> to vector<2048x376xf32>
    %concatenate3A_77 = tpu.concatenate %slice3A_75, %slice3A_76 in 1 : vector<2048x8xf32>, vector<2048x376xf32> -> vector<2048x384xf32>
    %mul3A_78 = arith.mulf %dot_general3A_54, %cos3A : vector<2048x384xf32>
    %mul3A_79 = arith.mulf %concatenate3A, %sin3A : vector<2048x384xf32>
    %sub3A_80 = arith.subf %mul3A_78, %mul3A_79 : vector<2048x384xf32>
    %mul3A_81 = arith.mulf %dot_general3A_54, %cos3A : vector<2048x384xf32>
    %mul3A_82 = arith.mulf %concatenate3A_77, %sin3A : vector<2048x384xf32>
    %add3A_83 = arith.addf %mul3A_81, %mul3A_82 : vector<2048x384xf32>
    %lt3A = arith.constant 8 : i32
    %lt3A_84 = vector.broadcast %lt3A : i32 to vector<2048x384xi32>
    %lt3A_85 = arith.cmpi slt, %and3A_61, %lt3A_84 : vector<2048x384xi32>
    %lt3A_86 = arith.constant 16 : i32
    %lt3A_87 = vector.broadcast %lt3A_86 : i32 to vector<2048x384xi32>
    %lt3A_88 = arith.cmpi slt, %and3A_61, %lt3A_87 : vector<2048x384xi32>
    %select_n3A = arith.select %lt3A_88, %add3A_83, %dot_general3A_54 : vector<2048x384xi1>, vector<2048x384xf32>
    %select_n3A_89 = arith.select %lt3A_85, %sub3A_80, %select_n3A : vector<2048x384xi1>, vector<2048x384xf32>
    %slice3A_90 = vector.extract_strided_slice %dot_general3A_59 {offsets = [0, 8], sizes = [2048, 376], strides = [1, 1]} : vector<2048x384xf32> to vector<2048x376xf32>
    %slice3A_91 = vector.extract_strided_slice %dot_general3A_59 {offsets = [0, 0], sizes = [2048, 8], strides = [1, 1]} : vector<2048x384xf32> to vector<2048x8xf32>
    %concatenate3A_92 = tpu.concatenate %slice3A_90, %slice3A_91 in 1 : vector<2048x376xf32>, vector<2048x8xf32> -> vector<2048x384xf32>
    %slice3A_93 = vector.extract_strided_slice %dot_general3A_59 {offsets = [0, 376], sizes = [2048, 8], strides = [1, 1]} : vector<2048x384xf32> to vector<2048x8xf32>
    %slice3A_94 = vector.extract_strided_slice %dot_general3A_59 {offsets = [0, 0], sizes = [2048, 376], strides = [1, 1]} : vector<2048x384xf32> to vector<2048x376xf32>
    %concatenate3A_95 = tpu.concatenate %slice3A_93, %slice3A_94 in 1 : vector<2048x8xf32>, vector<2048x376xf32> -> vector<2048x384xf32>
    %mul3A_96 = arith.mulf %dot_general3A_59, %cos3A : vector<2048x384xf32>
    %mul3A_97 = arith.mulf %concatenate3A_92, %sin3A : vector<2048x384xf32>
    %sub3A_98 = arith.subf %mul3A_96, %mul3A_97 : vector<2048x384xf32>
    %mul3A_99 = arith.mulf %dot_general3A_59, %cos3A : vector<2048x384xf32>
    %mul3A_100 = arith.mulf %concatenate3A_95, %sin3A : vector<2048x384xf32>
    %add3A_101 = arith.addf %mul3A_99, %mul3A_100 : vector<2048x384xf32>
    %lt3A_102 = arith.constant 8 : i32
    %lt3A_103 = vector.broadcast %lt3A_102 : i32 to vector<2048x384xi32>
    %lt3A_104 = arith.cmpi slt, %and3A_61, %lt3A_103 : vector<2048x384xi32>
    %lt3A_105 = arith.constant 16 : i32
    %lt3A_106 = vector.broadcast %lt3A_105 : i32 to vector<2048x384xi32>
    %lt3A_107 = arith.cmpi slt, %and3A_61, %lt3A_106 : vector<2048x384xi32>
    %select_n3A_108 = arith.select %lt3A_107, %add3A_101, %dot_general3A_59 : vector<2048x384xi1>, vector<2048x384xf32>
    %select_n3A_109 = arith.select %lt3A_104, %sub3A_98, %select_n3A_108 : vector<2048x384xi1>, vector<2048x384xf32>
    %iota3A_110 = tpu.iota {dimensions = array<i32: 0>} : vector<384x768xi32>
    %iota3A_111 = tpu.iota {dimensions = array<i32: 1>} : vector<384x768xi32>
    %shift_right_arithmetic3A = arith.constant 5 : i32
    %shift_right_arithmetic3A_112 = vector.broadcast %shift_right_arithmetic3A : i32 to vector<384x768xi32>
    %shift_right_arithmetic3A_113 = arith.shrsi %iota3A_110, %shift_right_arithmetic3A_112 : vector<384x768xi32>
    %shift_right_arithmetic3A_114 = arith.constant 6 : i32
    %shift_right_arithmetic3A_115 = vector.broadcast %shift_right_arithmetic3A_114 : i32 to vector<384x768xi32>
    %shift_right_arithmetic3A_116 = arith.shrsi %iota3A_111, %shift_right_arithmetic3A_115 : vector<384x768xi32>
    %eq3A = arith.cmpi eq, %shift_right_arithmetic3A_113, %shift_right_arithmetic3A_116 : vector<384x768xi32>
    %convert_element_type3A_117 = arith.extui %eq3A : vector<384x768xi1> to vector<384x768xi32>
    %convert_element_type3A_118 = arith.sitofp %convert_element_type3A_117 : vector<384x768xi32> to vector<384x768xf32>
    %dot_general3A_119 = arith.constant dense<0.000000e+00> : vector<384x768xf32>
    %dot_general3A_120 = tpu.matmul %dot_general3A_39, %dot_general3A_49, %dot_general3A_119 {dimension_numbers = #tpu.dot_dimension_numbers<[0], [0], [1], [1], [0, 1, 1, 1], [], []>, transpose_lhs_hint = false} : vector<2048x384xf32>, vector<2048x768xf32>, vector<384x768xf32> -> vector<384x768xf32>
    %mul3A_121 = arith.mulf %dot_general3A_120, %convert_element_type3A_118 : vector<384x768xf32>
    %dot_general3A_122 = arith.constant dense<0.000000e+00> : vector<384x768xf32>
    %dot_general3A_123 = tpu.matmul %select_n3A_109, %dot_general3A_49, %dot_general3A_122 {dimension_numbers = #tpu.dot_dimension_numbers<[0], [0], [1], [1], [0, 1, 1, 1], [], []>, transpose_lhs_hint = false} : vector<2048x384xf32>, vector<2048x768xf32>, vector<384x768xf32> -> vector<384x768xf32>
    %mul3A_124 = arith.mulf %dot_general3A_123, %convert_element_type3A_118 : vector<384x768xf32>
    %dot_general3A_125 = arith.constant dense<0.000000e+00> : vector<2048x768xf32>
    %dot_general3A_126 = tpu.matmul %dot_general3A_44, %mul3A_121, %dot_general3A_125 {dimension_numbers = #tpu.dot_dimension_numbers<[1], [0], [0], [1], [0, 0, 1, 1], [], []>, transpose_lhs_hint = false} : vector<2048x384xf32>, vector<384x768xf32>, vector<2048x768xf32> -> vector<2048x768xf32>
    %dot_general3A_127 = arith.constant dense<0.000000e+00> : vector<2048x768xf32>
    %dot_general3A_128 = tpu.matmul %select_n3A_89, %mul3A_124, %dot_general3A_127 {dimension_numbers = #tpu.dot_dimension_numbers<[1], [0], [0], [1], [0, 0, 1, 1], [], []>, transpose_lhs_hint = false} : vector<2048x384xf32>, vector<384x768xf32>, vector<2048x768xf32> -> vector<2048x768xf32>
    %add3A_129 = arith.addf %dot_general3A_126, %dot_general3A_128 : vector<2048x768xf32>
    %mul3A_130 = arith.constant 1.250000e-01 : f32
    %mul3A_131 = vector.broadcast %mul3A_130 : f32 to vector<2048x768xf32>
    %mul3A_132 = arith.mulf %add3A_129, %mul3A_131 : vector<2048x768xf32>
    %get3A_133 = arith.constant 0 : index
    %get3A_134 = arith.constant 0 : index
    %get3A_135 = vector.load %arg10[%get3A_133, %get3A_134] : memref<768x768xf32, #tpu.memory_space<vmem>>, vector<768x768xf32>
    %dot_general3A_136 = arith.constant dense<0.000000e+00> : vector<2048x768xf32>
    %dot_general3A_137 = tpu.matmul %mul3A_132, %get3A_135, %dot_general3A_136 {dimension_numbers = #tpu.dot_dimension_numbers<[1], [0], [0], [1], [0, 0, 1, 1], [], []>, transpose_lhs_hint = false} : vector<2048x768xf32>, vector<768x768xf32>, vector<2048x768xf32> -> vector<2048x768xf32>
    %add3A_138 = arith.addf %dot_general3A_137, %get3A_1 : vector<2048x768xf32>
    %swap3A = arith.constant 0 : index
    %swap3A_139 = arith.constant 0 : index
    %swap3A_140 = vector.load %arg11[%swap3A, %swap3A_139] : memref<2048x768xf32, #tpu.memory_space<vmem>>, vector<2048x768xf32>
    tpu.vector_store %arg11[%swap3A, %swap3A_139], %add3A_138 {strides = array<i32>} : memref<2048x768xf32, #tpu.memory_space<vmem>>, vector<2048x768xf32>,
    return
  }
}

module attributes {stable_mosaic.version = 14 : i64} {
  func.func @_moe_body(%arg0: i32, %arg1: i32, %arg2: i32, %arg3: memref<512x768xf32, #tpu.memory_space<vmem>>, %arg4: memref<512x768xf32, #tpu.memory_space<vmem>>, %arg5: memref<1x768xf32, #tpu.memory_space<vmem>>, %arg6: memref<1x768xf32, #tpu.memory_space<vmem>>, %arg7: memref<768x1536xbf16, #tpu.memory_space<vmem>>, %arg8: memref<1536x768xbf16, #tpu.memory_space<vmem>>, %arg9: memref<1x768x1536xbf16, #tpu.memory_space<vmem>>, %arg10: memref<1x1536x768xbf16, #tpu.memory_space<vmem>>, %arg11: memref<768x8xf32, #tpu.memory_space<vmem>>, %arg12: memref<512x768xf32, #tpu.memory_space<vmem>>) attributes {dimension_semantics = [#tpu.dimension_semantics<arbitrary>, #tpu.dimension_semantics<arbitrary>, #tpu.dimension_semantics<arbitrary>], iteration_bounds = array<i64: 4, 8, 2>, scalar_prefetch = 0 : i64, scratch_operands = 0 : i64, tpu.core_type = #tpu.core_type<tc>, window_params = [{transform_indices = @transform_0, window_bounds = array<i64: 512, 768>}, {transform_indices = @transform_1, window_bounds = array<i64: 512, 768>}, {pipeline_mode = #tpu.pipeline_mode<synchronous>, transform_indices = @transform_2, window_bounds = array<i64: 1, 768>}, {pipeline_mode = #tpu.pipeline_mode<synchronous>, transform_indices = @transform_3, window_bounds = array<i64: 1, 768>}, {transform_indices = @transform_4, window_bounds = array<i64: 768, 1536>}, {transform_indices = @transform_5, window_bounds = array<i64: 1536, 768>}, {transform_indices = @transform_6, window_bounds = array<i64: 1, 768, 1536>}, {transform_indices = @transform_7, window_bounds = array<i64: 1, 1536, 768>}, {pipeline_mode = #tpu.pipeline_mode<synchronous>, transform_indices = @transform_8, window_bounds = array<i64: 768, 8>}, {transform_indices = @transform_9, window_bounds = array<i64: 512, 768>}]} {
    %get3A = arith.constant 0 : index
    %get3A_0 = arith.constant 0 : index
    %get3A_1 = vector.load %arg3[%get3A, %get3A_0] : memref<512x768xf32, #tpu.memory_space<vmem>>, vector<512x768xf32>
    %get3A_2 = arith.constant 0 : index
    %get3A_3 = arith.constant 0 : index
    %get3A_4 = vector.load %arg5[%get3A_2, %get3A_3] : memref<1x768xf32, #tpu.memory_space<vmem>>, vector<1x768xf32>
    %get3A_5 = arith.constant 0 : index
    %get3A_6 = arith.constant 0 : index
    %get3A_7 = vector.load %arg6[%get3A_5, %get3A_6] : memref<1x768xf32, #tpu.memory_space<vmem>>, vector<1x768xf32>
    %reduce_sum3A = arith.constant dense<0.000000e+00> : vector<512xf32>
    %reduce_sum3A_8 = vector.multi_reduction <add>, %get3A_1, %reduce_sum3A [1] : vector<512x768xf32> to vector<512xf32>
    %broadcast_in_dim3A = vector.shape_cast %reduce_sum3A_8 : vector<512xf32> to vector<512x1xf32>
    %div3A = arith.constant 7.680000e+02 : f32
    %div3A_9 = vector.broadcast %div3A : f32 to vector<512x1xf32>
    %div3A_10 = arith.divf %broadcast_in_dim3A, %div3A_9 : vector<512x1xf32>
    %sub3A = vector.broadcast %div3A_10 : vector<512x1xf32> to vector<512x768xf32>
    %sub3A_11 = arith.subf %get3A_1, %sub3A : vector<512x768xf32>
    %mul3A = arith.mulf %sub3A_11, %sub3A_11 : vector<512x768xf32>
    %reduce_sum3A_12 = arith.constant dense<0.000000e+00> : vector<512xf32>
    %reduce_sum3A_13 = vector.multi_reduction <add>, %mul3A, %reduce_sum3A_12 [1] : vector<512x768xf32> to vector<512xf32>
    %broadcast_in_dim3A_14 = vector.shape_cast %reduce_sum3A_13 : vector<512xf32> to vector<512x1xf32>
    %div3A_15 = arith.constant 7.680000e+02 : f32
    %div3A_16 = vector.broadcast %div3A_15 : f32 to vector<512x1xf32>
    %div3A_17 = arith.divf %broadcast_in_dim3A_14, %div3A_16 : vector<512x1xf32>
    %add3A = arith.constant 9.99999974E-6 : f32
    %add3A_18 = vector.broadcast %add3A : f32 to vector<512x1xf32>
    %add3A_19 = arith.addf %div3A_17, %add3A_18 : vector<512x1xf32>
    %rsqrt3A = math.rsqrt %add3A_19 : vector<512x1xf32>
    %mul3A_20 = vector.broadcast %rsqrt3A : vector<512x1xf32> to vector<512x768xf32>
    %mul3A_21 = arith.mulf %sub3A_11, %mul3A_20 : vector<512x768xf32>
    %mul3A_22 = vector.broadcast %get3A_4 : vector<1x768xf32> to vector<512x768xf32>
    %mul3A_23 = arith.mulf %mul3A_21, %mul3A_22 : vector<512x768xf32>
    %add3A_24 = vector.broadcast %get3A_7 : vector<1x768xf32> to vector<512x768xf32>
    %add3A_25 = arith.addf %mul3A_23, %add3A_24 : vector<512x768xf32>
    %get3A_26 = arith.constant 0 : index
    %get3A_27 = arith.constant 0 : index
    %get3A_28 = vector.load %arg11[%get3A_26, %get3A_27] : memref<768x8xf32, #tpu.memory_space<vmem>>, vector<768x8xf32>
    %dot_general3A = arith.constant dense<0.000000e+00> : vector<512x8xf32>
    %dot_general3A_29 = tpu.matmul %add3A_25, %get3A_28, %dot_general3A {dimension_numbers = #tpu.dot_dimension_numbers<[1], [0], [0], [1], [0, 0, 1, 1], [], []>, transpose_lhs_hint = false} : vector<512x768xf32>, vector<768x8xf32>, vector<512x8xf32> -> vector<512x8xf32>
    %reduce_max3A = arith.constant dense<0xFF800000> : vector<512xf32>
    %reduce_max3A_30 = vector.multi_reduction <maximumf>, %dot_general3A_29, %reduce_max3A [1] : vector<512x8xf32> to vector<512xf32>
    %broadcast_in_dim3A_31 = vector.shape_cast %reduce_max3A_30 : vector<512xf32> to vector<512x1xf32>
    %sub3A_32 = vector.broadcast %broadcast_in_dim3A_31 : vector<512x1xf32> to vector<512x8xf32>
    %sub3A_33 = arith.subf %dot_general3A_29, %sub3A_32 : vector<512x8xf32>
    %exp3A = math.exp %sub3A_33 : vector<512x8xf32>
    %reduce_sum3A_34 = arith.constant dense<0.000000e+00> : vector<512xf32>
    %reduce_sum3A_35 = vector.multi_reduction <add>, %exp3A, %reduce_sum3A_34 [1] : vector<512x8xf32> to vector<512xf32>
    %broadcast_in_dim3A_36 = vector.shape_cast %reduce_sum3A_35 : vector<512xf32> to vector<512x1xf32>
    %div3A_37 = vector.broadcast %broadcast_in_dim3A_36 : vector<512x1xf32> to vector<512x8xf32>
    %div3A_38 = arith.divf %exp3A, %div3A_37 : vector<512x8xf32>
    %reduce_max3A_39 = arith.constant dense<0xFF800000> : vector<512xf32>
    %reduce_max3A_40 = vector.multi_reduction <maximumf>, %div3A_38, %reduce_max3A_39 [1] : vector<512x8xf32> to vector<512xf32>
    %broadcast_in_dim3A_41 = vector.shape_cast %reduce_max3A_40 : vector<512xf32> to vector<512x1xf32>
    %iota3A = tpu.iota {dimensions = array<i32: 1>} : vector<512x8xi32>
    %eq3A = vector.broadcast %broadcast_in_dim3A_41 : vector<512x1xf32> to vector<512x8xf32>
    %eq3A_42 = arith.cmpf oeq, %div3A_38, %eq3A : vector<512x8xf32>
    %jit3A = arith.constant 8 : i32
    %broadcast_in_dim3A_43 = vector.broadcast %jit3A : i32 to vector<512x8xi32>
    %select_n3A = arith.select %eq3A_42, %iota3A, %broadcast_in_dim3A_43 : vector<512x8xi1>, vector<512x8xi32>
    %reduce_min3A = arith.constant dense<2147483647> : vector<512xi32>
    %reduce_min3A_44 = vector.multi_reduction <minsi>, %select_n3A, %reduce_min3A [1] : vector<512x8xi32> to vector<512xi32>
    %broadcast_in_dim3A_45 = vector.shape_cast %reduce_min3A_44 : vector<512xi32> to vector<512x1xi32>
    %eq3A_46 = vector.broadcast %broadcast_in_dim3A_45 : vector<512x1xi32> to vector<512x8xi32>
    %eq3A_47 = arith.cmpi eq, %iota3A, %eq3A_46 : vector<512x8xi32>
    %jit3A_48 = arith.constant -1.000000e+00 : f32
    %broadcast_in_dim3A_49 = vector.broadcast %jit3A_48 : f32 to vector<512x8xf32>
    %select_n3A_50 = arith.select %eq3A_47, %broadcast_in_dim3A_49, %div3A_38 : vector<512x8xi1>, vector<512x8xf32>
    %reduce_max3A_51 = arith.constant dense<0xFF800000> : vector<512xf32>
    %reduce_max3A_52 = vector.multi_reduction <maximumf>, %select_n3A_50, %reduce_max3A_51 [1] : vector<512x8xf32> to vector<512xf32>
    %broadcast_in_dim3A_53 = vector.shape_cast %reduce_max3A_52 : vector<512xf32> to vector<512x1xf32>
    %ge3A = vector.broadcast %broadcast_in_dim3A_53 : vector<512x1xf32> to vector<512x8xf32>
    %ge3A_54 = arith.cmpf oge, %div3A_38, %ge3A : vector<512x8xf32>
    %jit3A_55 = arith.constant 0.000000e+00 : f32
    %broadcast_in_dim3A_56 = vector.broadcast %jit3A_55 : f32 to vector<512x8xf32>
    %select_n3A_57 = arith.select %ge3A_54, %div3A_38, %broadcast_in_dim3A_56 : vector<512x8xi1>, vector<512x8xf32>
    %eq3A_58 = vector.broadcast %arg1 : i32 to vector<512x8xi32>
    %eq3A_59 = arith.cmpi eq, %iota3A, %eq3A_58 : vector<512x8xi32>
    %convert_element_type3A = arith.extui %eq3A_59 : vector<512x8xi1> to vector<512x8xi32>
    %convert_element_type3A_60 = arith.sitofp %convert_element_type3A : vector<512x8xi32> to vector<512x8xf32>
    %mul3A_61 = arith.mulf %select_n3A_57, %convert_element_type3A_60 : vector<512x8xf32>
    %reduce_sum3A_62 = arith.constant dense<0.000000e+00> : vector<512xf32>
    %reduce_sum3A_63 = vector.multi_reduction <add>, %mul3A_61, %reduce_sum3A_62 [1] : vector<512x8xf32> to vector<512xf32>
    %broadcast_in_dim3A_64 = vector.shape_cast %reduce_sum3A_63 : vector<512xf32> to vector<512x1xf32>
    %convert_element_type3A_65 = arith.truncf %add3A_25 : vector<512x768xf32> to vector<512x768xbf16>
    %eq3A_66 = arith.constant 0 : i32
    %eq3A_67 = arith.cmpi eq, %arg1, %eq3A_66 : i32
    %eq3A_68 = arith.constant 0 : i32
    %eq3A_69 = arith.cmpi eq, %arg2, %eq3A_68 : i32
    %and3A = arith.andi %eq3A_67, %eq3A_69 : i1
    %convert_element_type3A_70 = arith.extui %and3A : i1 to i32
    %cond3A = arith.constant 0 : i32
    %cond3A_71 = arith.cmpi ne, %convert_element_type3A_70, %cond3A : i32
    scf.if %cond3A_71 {
      %get3A_110 = arith.constant 0 : index
      %get3A_111 = arith.constant 0 : index
      %get3A_112 = vector.load %arg4[%get3A_110, %get3A_111] : memref<512x768xf32, #tpu.memory_space<vmem>>, vector<512x768xf32>
      %add3A_113 = arith.addf %add3A_25, %get3A_112 : vector<512x768xf32>
      %swap3A_114 = arith.constant 0 : index
      %swap3A_115 = arith.constant 0 : index
      %swap3A_116 = vector.load %arg12[%swap3A_114, %swap3A_115] : memref<512x768xf32, #tpu.memory_space<vmem>>, vector<512x768xf32>
      tpu.vector_store %arg12[%swap3A_114, %swap3A_115], %add3A_113 {strides = array<i32>} : memref<512x768xf32, #tpu.memory_space<vmem>>, vector<512x768xf32>,
    } else {
    }
    %eq3A_72 = arith.constant 0 : i32
    %eq3A_73 = arith.cmpi eq, %arg1, %eq3A_72 : i32
    %convert_element_type3A_74 = arith.extui %eq3A_73 : i1 to i32
    %cond3A_75 = arith.constant 0 : i32
    %cond3A_76 = arith.cmpi ne, %convert_element_type3A_74, %cond3A_75 : i32
    scf.if %cond3A_76 {
      %get3A_110 = arith.constant 0 : index
      %get3A_111 = arith.constant 0 : index
      %get3A_112 = vector.load %arg12[%get3A_110, %get3A_111] : memref<512x768xf32, #tpu.memory_space<vmem>>, vector<512x768xf32>
      %get3A_113 = arith.constant 0 : index
      %get3A_114 = arith.constant 0 : index
      %get3A_115 = vector.load %arg7[%get3A_113, %get3A_114] : memref<768x1536xbf16, #tpu.memory_space<vmem>>, vector<768x1536xbf16>
      %dot_general3A_116 = arith.constant dense<0.000000e+00> : vector<512x1536xf32>
      %dot_general3A_117 = tpu.matmul %convert_element_type3A_65, %get3A_115, %dot_general3A_116 {dimension_numbers = #tpu.dot_dimension_numbers<[1], [0], [0], [1], [0, 0, 1, 1], [], []>, transpose_lhs_hint = false} : vector<512x768xbf16>, vector<768x1536xbf16>, vector<512x1536xf32> -> vector<512x1536xf32>
      %mul3A_118 = arith.constant 5.000000e-01 : f32
      %mul3A_119 = vector.broadcast %mul3A_118 : f32 to vector<512x1536xf32>
      %mul3A_120 = arith.mulf %mul3A_119, %dot_general3A_117 : vector<512x1536xf32>
      %div3A_121 = arith.constant 1.41421354 : f32
      %div3A_122 = vector.broadcast %div3A_121 : f32 to vector<512x1536xf32>
      %div3A_123 = arith.divf %dot_general3A_117, %div3A_122 : vector<512x1536xf32>
      %erf3A_124 = math.erf %div3A_123 : vector<512x1536xf32>
      %add3A_125 = arith.constant 1.000000e+00 : f32
      %add3A_126 = vector.broadcast %add3A_125 : f32 to vector<512x1536xf32>
      %add3A_127 = arith.addf %add3A_126, %erf3A_124 : vector<512x1536xf32>
      %mul3A_128 = arith.mulf %mul3A_120, %add3A_127 : vector<512x1536xf32>
      %convert_element_type3A_129 = arith.truncf %mul3A_128 : vector<512x1536xf32> to vector<512x1536xbf16>
      %get3A_130 = arith.constant 0 : index
      %get3A_131 = arith.constant 0 : index
      %get3A_132 = vector.load %arg8[%get3A_130, %get3A_131] : memref<1536x768xbf16, #tpu.memory_space<vmem>>, vector<1536x768xbf16>
      %dot_general3A_133 = arith.constant dense<0.000000e+00> : vector<512x768xf32>
      %dot_general3A_134 = tpu.matmul %convert_element_type3A_129, %get3A_132, %dot_general3A_133 {dimension_numbers = #tpu.dot_dimension_numbers<[1], [0], [0], [1], [0, 0, 1, 1], [], []>, transpose_lhs_hint = false} : vector<512x1536xbf16>, vector<1536x768xbf16>, vector<512x768xf32> -> vector<512x768xf32>
      %add3A_135 = arith.addf %get3A_112, %dot_general3A_134 : vector<512x768xf32>
      %swap3A_136 = arith.constant 0 : index
      %swap3A_137 = arith.constant 0 : index
      %swap3A_138 = vector.load %arg12[%swap3A_136, %swap3A_137] : memref<512x768xf32, #tpu.memory_space<vmem>>, vector<512x768xf32>
      tpu.vector_store %arg12[%swap3A_136, %swap3A_137], %add3A_135 {strides = array<i32>} : memref<512x768xf32, #tpu.memory_space<vmem>>, vector<512x768xf32>,
    } else {
    }
    %get3A_77 = arith.constant 0 : index
    %get3A_78 = arith.constant 0 : index
    %get3A_79 = arith.constant 0 : index
    %get3A_80 = vector.load %arg9[%get3A_77, %get3A_78, %get3A_79] : memref<1x768x1536xbf16, #tpu.memory_space<vmem>>, vector<1x768x1536xbf16>
    %get3A_81 = vector.shape_cast %get3A_80 : vector<1x768x1536xbf16> to vector<768x1536xbf16>
    %dot_general3A_82 = arith.constant dense<0.000000e+00> : vector<512x1536xf32>
    %dot_general3A_83 = tpu.matmul %convert_element_type3A_65, %get3A_81, %dot_general3A_82 {dimension_numbers = #tpu.dot_dimension_numbers<[1], [0], [0], [1], [0, 0, 1, 1], [], []>, transpose_lhs_hint = false} : vector<512x768xbf16>, vector<768x1536xbf16>, vector<512x1536xf32> -> vector<512x1536xf32>
    %mul3A_84 = arith.constant 5.000000e-01 : f32
    %mul3A_85 = vector.broadcast %mul3A_84 : f32 to vector<512x1536xf32>
    %mul3A_86 = arith.mulf %mul3A_85, %dot_general3A_83 : vector<512x1536xf32>
    %div3A_87 = arith.constant 1.41421354 : f32
    %div3A_88 = vector.broadcast %div3A_87 : f32 to vector<512x1536xf32>
    %div3A_89 = arith.divf %dot_general3A_83, %div3A_88 : vector<512x1536xf32>
    %erf3A = math.erf %div3A_89 : vector<512x1536xf32>
    %add3A_90 = arith.constant 1.000000e+00 : f32
    %add3A_91 = vector.broadcast %add3A_90 : f32 to vector<512x1536xf32>
    %add3A_92 = arith.addf %add3A_91, %erf3A : vector<512x1536xf32>
    %mul3A_93 = arith.mulf %mul3A_86, %add3A_92 : vector<512x1536xf32>
    %convert_element_type3A_94 = arith.truncf %mul3A_93 : vector<512x1536xf32> to vector<512x1536xbf16>
    %get3A_95 = arith.constant 0 : index
    %get3A_96 = arith.constant 0 : index
    %get3A_97 = arith.constant 0 : index
    %get3A_98 = vector.load %arg10[%get3A_95, %get3A_96, %get3A_97] : memref<1x1536x768xbf16, #tpu.memory_space<vmem>>, vector<1x1536x768xbf16>
    %get3A_99 = vector.shape_cast %get3A_98 : vector<1x1536x768xbf16> to vector<1536x768xbf16>
    %dot_general3A_100 = arith.constant dense<0.000000e+00> : vector<512x768xf32>
    %dot_general3A_101 = tpu.matmul %convert_element_type3A_94, %get3A_99, %dot_general3A_100 {dimension_numbers = #tpu.dot_dimension_numbers<[1], [0], [0], [1], [0, 0, 1, 1], [], []>, transpose_lhs_hint = false} : vector<512x1536xbf16>, vector<1536x768xbf16>, vector<512x768xf32> -> vector<512x768xf32>
    %mul3A_102 = vector.broadcast %broadcast_in_dim3A_64 : vector<512x1xf32> to vector<512x768xf32>
    %mul3A_103 = arith.mulf %dot_general3A_101, %mul3A_102 : vector<512x768xf32>
    %get3A_104 = arith.constant 0 : index
    %get3A_105 = arith.constant 0 : index
    %get3A_106 = vector.load %arg12[%get3A_104, %get3A_105] : memref<512x768xf32, #tpu.memory_space<vmem>>, vector<512x768xf32>
    %add3A_107 = arith.addf %get3A_106, %mul3A_103 : vector<512x768xf32>
    %swap3A = arith.constant 0 : index
    %swap3A_108 = arith.constant 0 : index
    %swap3A_109 = vector.load %arg12[%swap3A, %swap3A_108] : memref<512x768xf32, #tpu.memory_space<vmem>>, vector<512x768xf32>
    tpu.vector_store %arg12[%swap3A, %swap3A_108], %add3A_107 {strides = array<i32>} : memref<512x768xf32, #tpu.memory_space<vmem>>, vector<512x768xf32>,
    return
  }
  func.func @transform_0(%arg0: i32, %arg1: i32, %arg2: i32) -> (i32, i32) {
    %c0_i32 = arith.constant 0 : i32
    %c0_i32_0 = arith.constant 0 : i32
    return %arg0, %c0_i32 : i32, i32
  }
  func.func @transform_1(%arg0: i32, %arg1: i32, %arg2: i32) -> (i32, i32) {
    %c0_i32 = arith.constant 0 : i32
    %c0_i32_0 = arith.constant 0 : i32
    return %arg0, %c0_i32 : i32, i32
  }
  func.func @transform_2(%arg0: i32, %arg1: i32, %arg2: i32) -> (i32, i32) {
    %c0_i32 = arith.constant 0 : i32
    %c0_i32_0 = arith.constant 0 : i32
    %c0_i32_1 = arith.constant 0 : i32
    return %c0_i32, %c0_i32_0 : i32, i32
  }
  func.func @transform_3(%arg0: i32, %arg1: i32, %arg2: i32) -> (i32, i32) {
    %c0_i32 = arith.constant 0 : i32
    %c0_i32_0 = arith.constant 0 : i32
    %c0_i32_1 = arith.constant 0 : i32
    return %c0_i32, %c0_i32_0 : i32, i32
  }
  func.func @transform_4(%arg0: i32, %arg1: i32, %arg2: i32) -> (i32, i32) {
    %c0_i32 = arith.constant 0 : i32
    %c0_i32_0 = arith.constant 0 : i32
    return %c0_i32, %arg2 : i32, i32
  }
  func.func @transform_5(%arg0: i32, %arg1: i32, %arg2: i32) -> (i32, i32) {
    %c0_i32 = arith.constant 0 : i32
    %c0_i32_0 = arith.constant 0 : i32
    return %arg2, %c0_i32 : i32, i32
  }
  func.func @transform_6(%arg0: i32, %arg1: i32, %arg2: i32) -> (i32, i32, i32) {
    %c0_i32 = arith.constant 0 : i32
    %c0_i32_0 = arith.constant 0 : i32
    return %arg1, %c0_i32, %arg2 : i32, i32, i32
  }
  func.func @transform_7(%arg0: i32, %arg1: i32, %arg2: i32) -> (i32, i32, i32) {
    %c0_i32 = arith.constant 0 : i32
    %c0_i32_0 = arith.constant 0 : i32
    return %arg1, %arg2, %c0_i32 : i32, i32, i32
  }
  func.func @transform_8(%arg0: i32, %arg1: i32, %arg2: i32) -> (i32, i32) {
    %c0_i32 = arith.constant 0 : i32
    %c0_i32_0 = arith.constant 0 : i32
    %c0_i32_1 = arith.constant 0 : i32
    return %c0_i32, %c0_i32_0 : i32, i32
  }
  func.func @transform_9(%arg0: i32, %arg1: i32, %arg2: i32) -> (i32, i32) {
    %c0_i32 = arith.constant 0 : i32
    %c0_i32_0 = arith.constant 0 : i32
    return %arg0, %c0_i32 : i32, i32
  }
}

module attributes {stable_mosaic.version = 14 : i64} {
  func.func @_head_body(%arg0: i32, %arg1: memref<2048x768xf32, #tpu.memory_space<vmem>>, %arg2: memref<1x768xf32, #tpu.memory_space<vmem>>, %arg3: memref<1x768xf32, #tpu.memory_space<vmem>>, %arg4: memref<768x1280xbf16, #tpu.memory_space<vmem>>, %arg5: memref<2048x1280xf32, #tpu.memory_space<vmem>>) attributes {dimension_semantics = [#tpu.dimension_semantics<arbitrary>], iteration_bounds = array<i64: 25>, scalar_prefetch = 0 : i64, scratch_operands = 0 : i64, tpu.core_type = #tpu.core_type<tc>, window_params = [{pipeline_mode = #tpu.pipeline_mode<synchronous>, transform_indices = @transform_0, window_bounds = array<i64: 2048, 768>}, {pipeline_mode = #tpu.pipeline_mode<synchronous>, transform_indices = @transform_1, window_bounds = array<i64: 1, 768>}, {pipeline_mode = #tpu.pipeline_mode<synchronous>, transform_indices = @transform_2, window_bounds = array<i64: 1, 768>}, {transform_indices = @transform_3, window_bounds = array<i64: 768, 1280>}, {transform_indices = @transform_4, window_bounds = array<i64: 2048, 1280>}]} {
    %get3A = arith.constant 0 : index
    %get3A_0 = arith.constant 0 : index
    %get3A_1 = vector.load %arg1[%get3A, %get3A_0] : memref<2048x768xf32, #tpu.memory_space<vmem>>, vector<2048x768xf32>
    %get3A_2 = arith.constant 0 : index
    %get3A_3 = arith.constant 0 : index
    %get3A_4 = vector.load %arg2[%get3A_2, %get3A_3] : memref<1x768xf32, #tpu.memory_space<vmem>>, vector<1x768xf32>
    %get3A_5 = arith.constant 0 : index
    %get3A_6 = arith.constant 0 : index
    %get3A_7 = vector.load %arg3[%get3A_5, %get3A_6] : memref<1x768xf32, #tpu.memory_space<vmem>>, vector<1x768xf32>
    %reduce_sum3A = arith.constant dense<0.000000e+00> : vector<2048xf32>
    %reduce_sum3A_8 = vector.multi_reduction <add>, %get3A_1, %reduce_sum3A [1] : vector<2048x768xf32> to vector<2048xf32>
    %broadcast_in_dim3A = vector.shape_cast %reduce_sum3A_8 : vector<2048xf32> to vector<2048x1xf32>
    %div3A = arith.constant 7.680000e+02 : f32
    %div3A_9 = vector.broadcast %div3A : f32 to vector<2048x1xf32>
    %div3A_10 = arith.divf %broadcast_in_dim3A, %div3A_9 : vector<2048x1xf32>
    %sub3A = vector.broadcast %div3A_10 : vector<2048x1xf32> to vector<2048x768xf32>
    %sub3A_11 = arith.subf %get3A_1, %sub3A : vector<2048x768xf32>
    %mul3A = arith.mulf %sub3A_11, %sub3A_11 : vector<2048x768xf32>
    %reduce_sum3A_12 = arith.constant dense<0.000000e+00> : vector<2048xf32>
    %reduce_sum3A_13 = vector.multi_reduction <add>, %mul3A, %reduce_sum3A_12 [1] : vector<2048x768xf32> to vector<2048xf32>
    %broadcast_in_dim3A_14 = vector.shape_cast %reduce_sum3A_13 : vector<2048xf32> to vector<2048x1xf32>
    %div3A_15 = arith.constant 7.680000e+02 : f32
    %div3A_16 = vector.broadcast %div3A_15 : f32 to vector<2048x1xf32>
    %div3A_17 = arith.divf %broadcast_in_dim3A_14, %div3A_16 : vector<2048x1xf32>
    %add3A = arith.constant 9.99999974E-6 : f32
    %add3A_18 = vector.broadcast %add3A : f32 to vector<2048x1xf32>
    %add3A_19 = arith.addf %div3A_17, %add3A_18 : vector<2048x1xf32>
    %rsqrt3A = math.rsqrt %add3A_19 : vector<2048x1xf32>
    %mul3A_20 = vector.broadcast %rsqrt3A : vector<2048x1xf32> to vector<2048x768xf32>
    %mul3A_21 = arith.mulf %sub3A_11, %mul3A_20 : vector<2048x768xf32>
    %mul3A_22 = vector.broadcast %get3A_4 : vector<1x768xf32> to vector<2048x768xf32>
    %mul3A_23 = arith.mulf %mul3A_21, %mul3A_22 : vector<2048x768xf32>
    %add3A_24 = vector.broadcast %get3A_7 : vector<1x768xf32> to vector<2048x768xf32>
    %add3A_25 = arith.addf %mul3A_23, %add3A_24 : vector<2048x768xf32>
    %convert_element_type3A = arith.truncf %add3A_25 : vector<2048x768xf32> to vector<2048x768xbf16>
    %get3A_26 = arith.constant 0 : index
    %get3A_27 = arith.constant 0 : index
    %get3A_28 = vector.load %arg4[%get3A_26, %get3A_27] : memref<768x1280xbf16, #tpu.memory_space<vmem>>, vector<768x1280xbf16>
    %dot_general3A = arith.constant dense<0.000000e+00> : vector<2048x1280xf32>
    %dot_general3A_29 = tpu.matmul %convert_element_type3A, %get3A_28, %dot_general3A {dimension_numbers = #tpu.dot_dimension_numbers<[1], [0], [0], [1], [0, 0, 1, 1], [], []>, transpose_lhs_hint = false} : vector<2048x768xbf16>, vector<768x1280xbf16>, vector<2048x1280xf32> -> vector<2048x1280xf32>
    %swap3A = arith.constant 0 : index
    %swap3A_30 = arith.constant 0 : index
    %swap3A_31 = vector.load %arg5[%swap3A, %swap3A_30] : memref<2048x1280xf32, #tpu.memory_space<vmem>>, vector<2048x1280xf32>
    tpu.vector_store %arg5[%swap3A, %swap3A_30], %dot_general3A_29 {strides = array<i32>} : memref<2048x1280xf32, #tpu.memory_space<vmem>>, vector<2048x1280xf32>,
    return
  }
  func.func @transform_0(%arg0: i32) -> (i32, i32) {
    %c0_i32 = arith.constant 0 : i32
    %c0_i32_0 = arith.constant 0 : i32
    %c0_i32_1 = arith.constant 0 : i32
    return %c0_i32, %c0_i32_0 : i32, i32
  }
  func.func @transform_1(%arg0: i32) -> (i32, i32) {
    %c0_i32 = arith.constant 0 : i32
    %c0_i32_0 = arith.constant 0 : i32
    %c0_i32_1 = arith.constant 0 : i32
    return %c0_i32, %c0_i32_0 : i32, i32
  }
  func.func @transform_2(%arg0: i32) -> (i32, i32) {
    %c0_i32 = arith.constant 0 : i32
    %c0_i32_0 = arith.constant 0 : i32
    %c0_i32_1 = arith.constant 0 : i32
    return %c0_i32, %c0_i32_0 : i32, i32
  }
  func.func @transform_3(%arg0: i32) -> (i32, i32) {
    %c0_i32 = arith.constant 0 : i32
    %c0_i32_0 = arith.constant 0 : i32
    return %c0_i32, %arg0 : i32, i32
  }
  func.func @transform_4(%arg0: i32) -> (i32, i32) {
    %c0_i32 = arith.constant 0 : i32
    %c0_i32_0 = arith.constant 0 : i32
    return %c0_i32, %arg0 : i32, i32
  }
}

</mosaic_0001>

<sc_bundles>
// kernel: kernel.6.cloned.1.call-start
scs
__scs_entry_jumppad:
0x0: {  	(pc) =	sbr.rel $0x88, $3  }
0x1: {  	(tag) =	ssettag $0x0;
	lr =	simm.s32 $0x1  }
0x2: {  	[smem:$0x3F8B] =	sst lr;
	_ =	strace $0xD0000000  }
0x3: {  	_ = 	snop  }
0x4: {  	_ = 	snop  }
0x5: {  	_ = 	snop  }
0x6: {  	_ = 	snop  }
0x7: {  	_ = 	snop  }
__scs_overlays_trampoline_lowered:
0x8: {  	[smem:$0x3F9A] =	sst s0  }
0x9: {  	[smem:$0x3F9B] =	sst s1  }
0xa: {  	[smem:$0x3F9C] =	sst s2  }
0xb: {  	[smem:$0x3F9D] =	sst s3  }
0xc: {  	[smem:$0x3F9E] =	sst s4  }
0xd: {  	[smem:$0x3F9F] =	sst s5  }
0xe: {  	[smem:$0x3FA0] =	sst s6  }
0xf: {  	[smem:$0x3FA1] =	sst s7  }
0x10: {  	[smem:$0x3FA2] =	sst s8  }
0x11: {  	[smem:$0x3FA3] =	sst s9;
	s0 =	simm.s32 @!p0 $0x0  }
0x12: {  	s1 =	sld [smem:$0x3F89];
	s0 =	simm.s32 @p0 $0x1  }
0x13: {  	[smem:$0x3FA4] =	sst s0;
	s0 =	simm.s32 @!p1 $0x0  }
0x14: {  	s2 =	sld [smem:$0x3F88];
	s0 =	simm.s32 @p1 $0x1  }
0x15: {  	[smem:$0x3FA5] =	sst s0;
	s0 =	simm.s32 @!p2 $0x0  }
0x16: {  	s3 =	sld [smem:$0x3FDB];
	s0 =	simm.s32 @p2 $0x1  }
0x17: {  	s4 =	simm.s32 $0x1BF5;
	[smem:$0x3FA7] =	sst s0  }
0x18: {  	s0 =	sld [smem:$0x3F8A];
	_ =	swait.ge [sflag:s4], $0x0  }
0x19: {  	s7 =	sld [smem:$0x3F8B]  }
0x1a: {  	s8 =	sadd.s32 $0xFFFFE003, lr  }
0x1b: {  	s9 =	sadd.s32 $0xFFFFFEF7, lr;
	s5 =	simm.s32 $0xFFFFFFFF;
	p2 =	slt.u32 s8, $0xFFFFF086  }
0x1c: {  	p1 =	slt.u32 s9, $0xF7A;
	s5 =	simm.s32 @!p2 $0x0  }
0x1d: {  	s5 =	simm.s32 @p1 $0x1;
	p0 =	seq.s32 s7, s2  }
0x1e: {  	s7 =	smul.u32 @!p0 $0xF7A, s2;
	p2 =	seq.s32 @!p0 s5, $0x0  }
0x1f: {  	s9 =	smul.u32 $0xF7A, s1;
	s8 =	simm.s32 @!p0 $0x1BF5;
	p2 =	por !p2, p0  }
0x20: {  	[sflag:s8] =	ssyncset.s32 @!p0 $0xFFFFF086;
	s6 =	sadd.s32 @!p0 s3, s7;
	s7 =	simm.s32 @!p0 $0x108  }
0x21: {  	s3 =	sadd.s32 s3, s9;
	s6 =	sadd.s32 @!p0 $0x88, s6;
	s7 =	simm.s32 @p2 $0x1082  }
0x22: {  	[simem:s7], [sflag:s8] =	dma.local @!p0 [hbm:s6], $0xF7A  }
0x23: {  	s9 =	sor.u32 $0xD0000000, s2;
	s6 =	simm.s32 $0x108;
	_ =	swait.ge @!p0 [sflag:s8], $0x0  }
0x24: {  	s3 =	sadd.s32 $0x88, s3;
	s6 =	simm.s32 @!p1 $0x1082;
	[sflag:s4] =	ssyncset.s32 $0xFFFFF086  }
0x25: {  	[simem:s6], [sflag:s4] =	dma.local [hbm:s3], $0xF7A  }
0x26: {  	[smem:$0x3F8B] =	sst s1;
	(tag) =	ssettag s2;
	_ =	strace s9  }
0x27: {  	s1 =	sld [smem:$0x3F9B]  }
0x28: {  	s2 =	sld [smem:$0x3F9C]  }
0x29: {  	s4 =	sld [smem:$0x3F9E]  }
0x2a: {  	p0 =	seq.s32 s5, $0x0;
	s5 =	sld [smem:$0x3F9F]  }
0x2b: {  	s6 =	sld [smem:$0x3FA0]  }
0x2c: {  	s7 =	sld [smem:$0x3FA1]  }
0x2d: {  	s3 =	simm.s32 $0x108;
	s8 =	sld [smem:$0x3FA2]  }
0x2e: {  	s3 =	simm.s32 @!p0 $0x1082;
	s9 =	sld [smem:$0x3FA3]  }
0x2f: {  	lr =	sadd.s32 s0, s3;
	s0 =	sld [smem:$0x3F9A]  }
0x30: {  	s3 =	sld [smem:$0x3F9D]  }
0x31: {  	[smem:$0x3FA6] =	sst s10  }
0x32: {  	s10 =	sld [smem:$0x3FA4];
	_ =	sdelay $0x3  }
0x33: {  	p0 =	seq.s32 s10, $0x1;
	s10 =	sld [smem:$0x3FA6];
	_ =	sdelay $0x3  }
0x34: {  	[smem:$0x3FA6] =	sst s10  }
0x35: {  	s10 =	sld [smem:$0x3FA5];
	_ =	sdelay $0x3  }
0x36: {  	p1 =	seq.s32 s10, $0x1;
	s10 =	sld [smem:$0x3FA6];
	_ =	sdelay $0x3  }
0x37: {  	[smem:$0x3FA6] =	sst s10  }
0x38: {  	s10 =	sld [smem:$0x3FA7]  }
0x39: {  	_ = 	snop;
	(pc) =	sbr.ind lr, $3  }
0x3a: {  	_ = 	snop  }
0x3b: {  	_ = 	snop  }
0x3c: {  	p2 =	seq.s32 s10, $0x1;
	s10 =	sld [smem:$0x3FA6]  }
0x3d: {  	_ =	shalt  }
0x3e: {  	_ =	shalt  }
0x3f: {  	_ =	shalt  }
0x40: {  	_ =	shalt  }
0x41: {  	_ =	shalt  }
0x42: {  	_ =	shalt  }
0x43: {  	_ =	shalt  }
0x44: {  	_ =	shalt  }
0x45: {  	_ =	shalt  }
0x46: {  	_ =	shalt  }
0x47: {  	_ =	shalt  }
0x48: {  	_ =	shalt  }
0x49: {  	_ =	shalt  }
0x4a: {  	_ =	shalt  }
0x4b: {  	_ =	shalt  }
0x4c: {  	_ =	shalt  }
0x4d: {  	_ =	shalt  }
0x4e: {  	_ =	shalt  }
0x4f: {  	_ =	shalt  }
0x50: {  	_ =	shalt  }
0x51: {  	_ =	shalt  }
0x52: {  	_ =	shalt  }
0x53: {  	_ =	shalt  }
0x54: {  	_ =	shalt  }
0x55: {  	_ =	shalt  }
0x56: {  	_ =	shalt  }
0x57: {  	_ =	shalt  }
0x58: {  	_ =	shalt  }
0x59: {  	_ =	shalt  }
0x5a: {  	_ =	shalt  }
0x5b: {  	_ =	shalt  }
0x5c: {  	_ =	shalt  }
0x5d: {  	_ =	shalt  }
0x5e: {  	_ =	shalt  }
0x5f: {  	_ =	shalt  }
0x60: {  	_ =	shalt  }
0x61: {  	_ =	shalt  }
0x62: {  	_ =	shalt  }
0x63: {  	_ =	shalt  }
0x64: {  	_ =	shalt  }
0x65: {  	_ =	shalt  }
0x66: {  	_ =	shalt  }
0x67: {  	_ =	shalt  }
0x68: {  	_ =	shalt  }
0x69: {  	_ =	shalt  }
0x6a: {  	_ =	shalt  }
0x6b: {  	_ =	shalt  }
0x6c: {  	_ =	shalt  }
0x6d: {  	_ =	shalt  }
0x6e: {  	_ =	shalt  }
0x6f: {  	_ =	shalt  }
0x70: {  	_ =	shalt  }
0x71: {  	_ =	shalt  }
0x72: {  	_ =	shalt  }
0x73: {  	_ =	shalt  }
0x74: {  	_ =	shalt  }
0x75: {  	_ =	shalt  }
0x76: {  	_ =	shalt  }
0x77: {  	_ =	shalt  }
0x78: {  	_ =	shalt  }
0x79: {  	_ =	shalt  }
0x7a: {  	_ =	shalt  }
0x7b: {  	_ =	shalt  }
0x7c: {  	_ =	shalt  }
0x7d: {  	_ =	shalt  }
0x7e: {  	_ =	shalt  }
0x7f: {  	_ =	shalt  }
0x80: {  	_ =	shalt  }
0x81: {  	_ =	shalt  }
0x82: {  	_ =	shalt  }
0x83: {  	_ =	shalt  }
0x84: {  	_ =	shalt  }
0x85: {  	_ =	shalt  }
0x86: {  	_ =	shalt  }
0x87: {  	_ =	shalt  }
.Lfunc_end0:
.L_simem_size_0:
called_computation_lowered:
.L_overlay_start_0:
0x88: {  	s2 =	sld [smem:$0x3FD9]  }
0x89: {  	s3 =	sld [smem:$0x3FFE];
	_ =	sdelay $0x1  }
0x8a: {  	s1 =	srdreg.scid  }
0x8b: {  	s0 =	sand.u32 $0x1, s1  }
0x8c: {  	s17 =	sshll.u32 s0, $0xA;
	s2 =	sadd.s32 s3, s2  }
0x8d: {  	s2 =	sadd.s32 s2, s17  }
0x8e: {  	[smem:$0x3FB2] =	sst s2  }
0x8f: {  	_ = 	snop  }
0x90: {  	s2 =	sld [smem:$0x3FC9]  }
0x91: {  	s18 =	sld [smem:$0x3FC8];
	(tm) =	ssettm $0x1  }
0x92: {  	s4 =	sld [smem:$0x3FFB];
	_ =	sdelay $0x3  }
0x93: {  	_ =	strace s4  }
0x94: {  	s4 =	sld [smem:$0x3FFC];
	_ =	sdelay $0x3  }
0x95: {  	_ =	strace s4  }
0x96: {  	s4 =	sld [smem:$0x3FFD];
	_ =	sdelay $0x3  }
0x97: {  	_ =	strace s4  }
0x98: {  	_ =	strace $0x8FFFFFFF  }
0x99: {  	s19 =	sld [smem:$0x3FDB];
	_ =	sdelay $0x1  }
0x9a: {  	s5 =	simm.s32 $_scs_section_size  }
0x9b: {  	s6 =	simm.s32 $_size__tile_overlayer_lowered;
	s7 =	simm.s32 $_tile_overlayer_lowered  }
0x9c: {  	s22 =	simm.s32 $0x1BFF;
	s21 =	sshll.u32 s7, $0x1;
	s4 =	sadd.s32 s5, s19  }
0x9d: {  	s8 =	simm.s32 $0x0;
	s20 =	sshll.u32 s6, $0x1;
	s6 =	sadd.s32 s21, s4  }
0x9e: {  	[timem:s8], [sflag:s22] =	dma.local [hbm:s6], s20  }
0x9f: {  	_ =	swait.ge [sflag:s22], s20  }
0xa0: {  	s5 =	ssub.s32 $0x0, s20;
	[sflag:s22] =	ssyncset.done $0x0  }
0xa1: {  	[sflag:s22] =	ssyncadd.s32 s5;
	_ =	sdelay $0x1  }
0xa2: {  	s23 =	simm.s32 $0x1B8B  }
0xa3: {  	_ =	swait.ge [sflag:s23], $0x1  }
0xa4: {  	[sflag:s23] =	ssyncset.done $0x0  }
0xa5: {  	s25 =	simm.s32 $0x1B8E;
	s24 =	sld [smem:$0x3FFE];
	[sflag:s23] =	ssyncadd.s32 $0xFFFFFFFF  }
0xa6: {  	s26 =	simm.s32 $execute0_lowered;
	[smem:$0x3FD2] =	sst s25  }
0xa7: {  	s6 =	sshll.u32 s26, $0x1;
	_ =	strace $0x80000046;
	[dreg:$0x1] =	wrdreg $0xFFFFFFFF  }
0xa8: {  	s28 =	simm.s32 $_size_execute0_lowered;
	s4 =	sadd.s32 s4, s6;
	[dreg:$0x0] =	wrdreg $0x0  }
0xa9: {  	s6 =	sshll.u32 s28, $0x1;
	[dreg:$0x2] =	wrdreg s4  }
0xaa: {  	[dreg:$0x3] =	wrdreg s6  }
0xab: {  	[dreg:$0x4] =	wrdreg $0xC0  }
0xac: {  	_ =	task [dreg:s8], $0x5FFFF  }
0xad: {  	[dreg:$0x1] =	wrdreg $0xFFFFFFFF  }
0xae: {  	[dreg:$0x0] =	wrdreg $0x60  }
0xaf: {  	[dreg:$0x2] =	wrdreg s18  }
0xb0: {  	[dreg:$0x3] =	wrdreg s2  }
0xb1: {  	[dreg:$0x4] =	wrdreg s24  }
0xb2: {  	[dreg:$0x5] =	wrdreg $0x9  }
0xb3: {  	_ =	task.clear_ibuf [dreg:s8], $0x6FFFF;
	_ =	strace $0x90000046  }
0xb4: {  	s29 =	simm.s32 $0x9;
	_ =	strace $0x80000048  }
0xb5: {  	_ =	swait.ge [sflag:s29], $0x1  }
0xb6: {  	[sflag:s29] =	ssyncadd.s32 $0xFFFFFFFF  }
0xb7: {  	_ =	strace $0x90000048  }
0xb8: {  	_ =	sfence  }
0xb9: {  	s30 =	sld [smem:$0x0];
	_ =	sdelay $0x2  }
0xba: {  	s31 =	sshll.u32 s1, $0xD;
	s1 =	sshrl.u32 s1, $0x2  }
0xbb: {  	s3 =	sand.u32 $0x4000, s31;
	s1 =	sadd.s32 s1, s30  }
0xbc: {  	s0 =	sor.u32 s3, s0;
	s1 =	sshll.u32 s1, $0x11  }
0xbd: {  	s0 =	sor.u32 s1, s0  }
0xbe: {  	s0 =	sadd.s32 $0x8F2B, s0  }
0xbf: {  	[sflag:s0] =	ssyncadd.remote.s32 $0x1  }
0xc0: {  	_ =	sfence.sel $0xFFFF  }
0xc1: {  	[dreg:$0x0] =	wrdreg $0xFFFFFFFF;
	(pc) =	sbr.abs _section_cstart, $3  }
0xc2: {  	[dreg:$0x1] =	wrdreg $0xFFFFFFFF  }
0xc3: {  	_ =	task.clear_ibuf [dreg:s8], $0x2FFFF;
	_ =	strace $0x9FFFFFFF  }
0xc4: {  	(tm) =	ssettm $0x7FFFFFFF  }
0xc5: {  	_ =	shalt  }
tec
execute0_lowered:
.L_overlay_start_1:
0x0: {  	(tag) =	ssettag $0x1  }
0x1: {  	s1 =	rddreg [dreg:$0x0]  }
0x2: {  	s2 =	srdreg.scid;
	s4 =	rddreg [dreg:$0x1]  }
0x3: {  	s0 =	stileid.u32;
	s5 =	rddreg [dreg:$0x2];
	s3 =	simm.s32 $0x0  }
0x4: {  	s26 =	simm.s32 $0x880;
	s9 =	simm.s32 $0x1080;
	s10 =	simm.s32 $0x1880  }
0x5: {  	s11 =	simm.s32 $0x2080;
	s12 =	simm.s32 $0x2880;
	s13 =	simm.s32 $0x3080  }
0x6: {  	s14 =	simm.s32 $0x3880;
	s15 =	simm.s32 $0x4080;
	s16 =	simm.s32 $0x4880  }
0x7: {  	s17 =	simm.s32 $0x5080;
	s18 =	simm.s32 $0x5880;
	s19 =	simm.s32 $0x6080  }
0x8: {  	s20 =	simm.s32 $0x6880;
	s21 =	simm.s32 $0x7080;
	s22 =	simm.s32 $0x7880  }
0x9: {  	s23 =	simm.s32 $0x8080;
	s24 =	simm.s32 $0x8880;
	s28 =	simm.s32 $0xA080  }
0xa: {  	s29 =	simm.s32 $0xA880;
	s30 =	simm.s32 $0xB080;
	s31 =	simm.s32 $0xB880  }
0xb: {  	s2 =	sand.u32 $0x1, s2;
	s6 =	sshll.u32 s0, $0x4;
	[smem:$0x7FF] =	sst s3  }
0xc: {  	s7 =	sshll.u32 s2, $0x3;
	s2 =	ssub.s32 $0x2, s2;
	_ =	strace $0x80000047  }
0xd: {  	[dreg:$0x6] =	wrdreg s26;
	s26 =	simm.s32 $0x9880;
	s6 =	sor.u32 s7, s6  }
0xe: {  	s8 =	sshrl.u32 s2, $0x1;
	s7 =	smul.u32 $0x300, s6;
	s4 =	sadd.s32 s4, s6  }
0xf: {  	s2 =	ssub.s32 s2, s8;
	s8 =	simm.s32 $0x80;
	[dreg:$0x4] =	wrdreg s4  }
0x10: {  	v2 =	vlaneseq.u32;
	s4 =	sadd.s32 $0x100, s1;
	s6 =	smax.u32 s2, $0x1;
	s5 =	sadd.s32 s7, s5  }
0x11: {  	vm0 =	vmmov $0xffff;
	v1 =	vshrl.u32 v2, $0x3;
	s2 =	simm.s32 $0x1;
	s7 =	simm.s32 $0x2;
	s25 =	sadd.s32 $0x3200, s5  }
0x12: {  	v0 =	vand.u32 $0x7, v2;
	v2 =	vor.u32 $0x8, v2;
	v1 =	vmul.u32 $0x8, v1;
	s5 =	sadd.s32 $0x200, s1;
	[dreg:$0x5] =	wrdreg s25;
	s25 =	simm.s32 $0x9080  }
.LBB2_1:
0x13: {  	s0 =	rddreg [dreg:$0x4]  }
0x14: {  	[tilespmem:s3], [sflag:$0x2] =	stream.linear.gather [hbm4b:s0+s3], $0x40, $0x38;
	[tilespmem:$0xC080] =	vst v63  }
0x15: {  	_ =	swait.ge [sflag:s7], $0x40  }
0x16: {  	[sflag:s7] =	ssyncset.done $0x0  }
0x17: {  	[sflag:s7] =	ssyncadd.s32 $0xFFFFFFC0  }
0x18: {  	v3 =	vld [tilespmem:$0x0];
	_ =	sdelay $0x4  }
0x19: {  	v4 =	vshrl.u32 v3, $0x3  }
0x1a: {  	v4 =	vmul.u32 $0x30, v4  }
0x1b: {  	v3 =	vand.u32 $0x7, v3  }
0x1c: {  	v3 =	vor.u32 v3, v4  }
0x1d: {  	v4 =	vperm.xlane v3, v0;
	_ =	sdelay $0x1  }
0x1e: {  	v4 =	vadd.s32 v1, v4;
	_ =	sdelay $0x3  }
0x1f: {  	v3 =	vperm.xlane v3, v2  }
0x20: {  	[tilespmem:s8], [sflag:$0x1] =	stream.indirect_vreg.gather [hbm4b:s1+s3], $0x80, v4, vm0, $0xb8;
	[tilespmem:$0xC080] =	vst v63  }
0x21: {  	s0 =	rddreg [dreg:$0x6];
	v3 =	vadd.s32 v1, v3  }
0x22: {  	[tilespmem:s0], [sflag:$0x1] =	stream.indirect_vreg.gather [hbm4b:s4+s3], $0x80, v4, vm0, $0xb8;
	[tilespmem:$0xC080] =	vst v63  }
0x23: {  	_ = 	snop  }
0x24: {  	[tilespmem:s9], [sflag:$0x1] =	stream.indirect_vreg.gather [hbm4b:s5+s3], $0x80, v4, vm0, $0xb8;
	[tilespmem:$0xC080] =	vst v63  }
0x25: {  	_ = 	snop  }
0x26: {  	[tilespmem:s10], [sflag:$0x1] =	stream.indirect_vreg.gather [hbm4b:s1+s3], $0x80, v3, vm0, $0xb8;
	[tilespmem:$0xC080] =	vst v63  }
0x27: {  	_ = 	snop  }
0x28: {  	[tilespmem:s11], [sflag:$0x1] =	stream.indirect_vreg.gather [hbm4b:s4+s3], $0x80, v3, vm0, $0xb8;
	[tilespmem:$0xC080] =	vst v63  }
0x29: {  	_ = 	snop  }
0x2a: {  	[tilespmem:s12], [sflag:$0x1] =	stream.indirect_vreg.gather [hbm4b:s5+s3], $0x80, v3, vm0, $0xb8;
	[tilespmem:$0xC080] =	vst v63  }
0x2b: {  	v3 =	vld [tilespmem:$0x10];
	_ =	sdelay $0x4  }
0x2c: {  	v61 =	vshrl.u32 v3, $0x3  }
0x2d: {  	v4 =	vmul.u32 $0x30, v61  }
0x2e: {  	v3 =	vand.u32 $0x7, v3  }
0x2f: {  	v3 =	vor.u32 v3, v4  }
0x30: {  	v4 =	vperm.xlane v3, v0;
	_ =	sdelay $0x1  }
0x31: {  	v4 =	vadd.s32 v1, v4;
	_ =	sdelay $0x3  }
0x32: {  	v3 =	vperm.xlane v3, v2  }
0x33: {  	[tilespmem:s13], [sflag:$0x1] =	stream.indirect_vreg.gather [hbm4b:s1+s3], $0x80, v4, vm0, $0xb8;
	[tilespmem:$0xC080] =	vst v63  }
0x34: {  	v3 =	vadd.s32 v1, v3  }
0x35: {  	[tilespmem:s14], [sflag:$0x1] =	stream.indirect_vreg.gather [hbm4b:s4+s3], $0x80, v4, vm0, $0xb8;
	[tilespmem:$0xC080] =	vst v63  }
0x36: {  	_ = 	snop  }
0x37: {  	[tilespmem:s15], [sflag:$0x1] =	stream.indirect_vreg.gather [hbm4b:s5+s3], $0x80, v4, vm0, $0xb8;
	[tilespmem:$0xC080] =	vst v63  }
0x38: {  	_ = 	snop  }
0x39: {  	[tilespmem:s16], [sflag:$0x1] =	stream.indirect_vreg.gather [hbm4b:s1+s3], $0x80, v3, vm0, $0xb8;
	[tilespmem:$0xC080] =	vst v63  }
0x3a: {  	_ = 	snop  }
0x3b: {  	[tilespmem:s17], [sflag:$0x1] =	stream.indirect_vreg.gather [hbm4b:s4+s3], $0x80, v3, vm0, $0xb8;
	[tilespmem:$0xC080] =	vst v63  }
0x3c: {  	_ = 	snop  }
0x3d: {  	[tilespmem:s18], [sflag:$0x1] =	stream.indirect_vreg.gather [hbm4b:s5+s3], $0x80, v3, vm0, $0xb8;
	[tilespmem:$0xC080] =	vst v63  }
0x3e: {  	v3 =	vld [tilespmem:$0x20];
	_ =	sdelay $0x4  }
0x3f: {  	v62 =	vshrl.u32 v3, $0x3  }
0x40: {  	v4 =	vmul.u32 $0x30, v62  }
0x41: {  	v3 =	vand.u32 $0x7, v3  }
0x42: {  	v3 =	vor.u32 v3, v4  }
0x43: {  	v4 =	vperm.xlane v3, v0;
	_ =	sdelay $0x1  }
0x44: {  	v4 =	vadd.s32 v1, v4;
	_ =	sdelay $0x3  }
0x45: {  	v3 =	vperm.xlane v3, v2  }
0x46: {  	[tilespmem:s19], [sflag:$0x1] =	stream.indirect_vreg.gather [hbm4b:s1+s3], $0x80, v4, vm0, $0xb8;
	[tilespmem:$0xC080] =	vst v63  }
0x47: {  	v3 =	vadd.s32 v1, v3  }
0x48: {  	[tilespmem:s20], [sflag:$0x1] =	stream.indirect_vreg.gather [hbm4b:s4+s3], $0x80, v4, vm0, $0xb8;
	[tilespmem:$0xC080] =	vst v63  }
0x49: {  	_ = 	snop  }
0x4a: {  	[tilespmem:s21], [sflag:$0x1] =	stream.indirect_vreg.gather [hbm4b:s5+s3], $0x80, v4, vm0, $0xb8;
	[tilespmem:$0xC080] =	vst v63  }
0x4b: {  	_ = 	snop  }
0x4c: {  	[tilespmem:s22], [sflag:$0x1] =	stream.indirect_vreg.gather [hbm4b:s1+s3], $0x80, v3, vm0, $0xb8;
	[tilespmem:$0xC080] =	vst v63  }
0x4d: {  	_ = 	snop  }
0x4e: {  	[tilespmem:s23], [sflag:$0x1] =	stream.indirect_vreg.gather [hbm4b:s4+s3], $0x80, v3, vm0, $0xb8;
	[tilespmem:$0xC080] =	vst v63  }
0x4f: {  	_ = 	snop  }
0x50: {  	[tilespmem:s24], [sflag:$0x1] =	stream.indirect_vreg.gather [hbm4b:s5+s3], $0x80, v3, vm0, $0xb8;
	[tilespmem:$0xC080] =	vst v63  }
0x51: {  	v3 =	vld [tilespmem:$0x30];
	_ =	sdelay $0x4  }
0x52: {  	v63 =	vshrl.u32 v3, $0x3  }
0x53: {  	v4 =	vmul.u32 $0x30, v63  }
0x54: {  	v3 =	vand.u32 $0x7, v3  }
0x55: {  	v3 =	vor.u32 v3, v4  }
0x56: {  	v4 =	vperm.xlane v3, v0;
	_ =	sdelay $0x1  }
0x57: {  	v4 =	vadd.s32 v1, v4;
	_ =	sdelay $0x3  }
0x58: {  	v3 =	vperm.xlane v3, v2  }
0x59: {  	[tilespmem:s25], [sflag:$0x1] =	stream.indirect_vreg.gather [hbm4b:s1+s3], $0x80, v4, vm0, $0xb8;
	[tilespmem:$0xC080] =	vst v63  }
0x5a: {  	v3 =	vadd.s32 v1, v3  }
0x5b: {  	[tilespmem:s26], [sflag:$0x1] =	stream.indirect_vreg.gather [hbm4b:s4+s3], $0x80, v4, vm0, $0xb8;
	[tilespmem:$0xC080] =	vst v63  }
0x5c: {  	_ = 	snop  }
0x5d: {  	[tilespmem:s28], [sflag:$0x1] =	stream.indirect_vreg.gather [hbm4b:s5+s3], $0x80, v4, vm0, $0xb8;
	[tilespmem:$0xC080] =	vst v63  }
0x5e: {  	_ = 	snop  }
0x5f: {  	[tilespmem:s29], [sflag:$0x1] =	stream.indirect_vreg.gather [hbm4b:s1+s3], $0x80, v3, vm0, $0xb8;
	[tilespmem:$0xC080] =	vst v63  }
0x60: {  	_ = 	snop  }
0x61: {  	[tilespmem:s30], [sflag:$0x1] =	stream.indirect_vreg.gather [hbm4b:s4+s3], $0x80, v3, vm0, $0xb8;
	[tilespmem:$0xC080] =	vst v63  }
0x62: {  	_ = 	snop  }
0x63: {  	[tilespmem:s31], [sflag:$0x1] =	stream.indirect_vreg.gather [hbm4b:s5+s3], $0x80, v3, vm0, $0xb8;
	[tilespmem:$0xC080] =	vst v63  }
0x64: {  	_ =	swait.ge [sflag:s2], $0xC000  }
0x65: {  	p0 =	sne.s32 s6, $0x1;
	[sflag:s2] =	ssyncset.done $0x0  }
.Ltmp0:
0x66: {  	s0 =	rddreg [dreg:$0x5];
	[sflag:s2] =	ssyncadd.s32 $0xFFFF4000;
	(pc) =	sbr.rel @p0 .LBB2_1-.Ltmp0, $4  }
0x67: {  	[hbm4b:s0+s3] =	stream.linear.scatter [tilespmem:s8], [sflag:$0x2], $0xC000, $0x38;
	[tilespmem:$0xC080] =	vst v63  }
0x68: {  	_ =	swait.ge [sflag:s7], $0xC000  }
0x69: {  	[sflag:s7] =	ssyncset.done $0x0  }
0x6a: {  	s6 =	sadd.s32 $0xFFFFFFFF, s6;
	[sflag:s7] =	ssyncadd.s32 $0xFFFF4000  }
0x6b: {  	_ =	sfence.sel $0x180000  }
0x6c: {  	[bflag:$0x0] =	sbarrier.arrive $0xFFFF  }
0x6d: {  	_ =	strace $0x90000047  }
0x6e: {  	s0 =	stileid.u32;
	[bflag:$0x2] =	sbarrier.arrive $0xFFFF  }
0x6f: {  	p0 =	sne.s32 s0, $0x0;
	s0 =	rddreg [dreg:$0x3]  }
0x70: {  	s0 =	sadd.s32 @!p0 $0x100000, s0  }
0x71: {  	[sflag:s0] =	ssyncadd.tile.s32 @!p0 $0x1;
	_ =	shalt  }
.Lfunc_end2:
_tile_overlayer_lowered:
.L_overlay_start_2:
0x72: {  	(tag) =	ssettag $0x2  }
0x73: {  	s0 =	rddreg [dreg:$0x0];
	s2 =	stileid.u32  }
0x74: {  	s1 =	rddreg [dreg:$0x1];
	p0 =	sne.s32 s2, $0x0  }
0x75: {  	s3 =	rddreg [dreg:$0x2];
	[bflag:$0x3] =	sbarrier.arrive $0xFFFF;
	s2 =	simm.s32 @!p0 $0x1C02  }
0x76: {  	[timem:s3], [sflag:s2] =	dma.local @!p0 [hbm:s0], s1  }
0x77: {  	s0 =	simm.s32 @!p0 $0x2  }
0x78: {  	_ =	swait.ge @!p0 [sflag:s0], s1  }
0x79: {  	s1 =	ssub.s32 @!p0 $0x0, s1;
	[sflag:s0] =	ssyncset.done @!p0 $0x0  }
0x7a: {  	[sflag:s0] =	ssyncadd.s32 @!p0 s1  }
0x7b: {  	[bflag:$0x3] =	sbarrier.arrive $0xFFFF  }
0x7c: {  	_ =	shalt  }

</sc_bundles>
